<compile_context>
chip_gen: v7x
topology: tpu7x:2x2x1
jax: 0.10.2.dev20260603
libtpu: 0.0.44.dev20260713+nightly
codegen_flags: <defaults>
</compile_context>

<pallas_src>
import functools

import jax
import jax.numpy as jnp
from jax import lax
from jax.experimental import pallas as pl
from jax.experimental.pallas import tpu as pltpu
from jax.experimental.pallas import tpu_sc as plsc

N = 2048
D = 512
K = 5
BLK = 1024
NSEL = 16
MARGIN = 1.0
ALPHA = 0.3

NW = 32
ROWS_PER_W = N // NW
RB = 8
L = 16



def _sq_kernel(a_ref, p_ref, ng_ref, er_ref, e_ref, sq_ref, tri_ref,
               eaug_ref):
    i = pl.program_id(0)
    ones_d = jnp.ones((D, 1), jnp.float32)

    @pl.when(i == 0)
    def _init():
        tri_ref[...] = jnp.zeros((1, 1), jnp.float32)
        e0 = e_ref[...]
        cn = jax.lax.dot_general(e0 * e0, ones_d, (((1,), (0,)), ((), ())),
                                 preferred_element_type=jnp.float32)
        eaug_ref[:, :D] = e0 * (-2.0)
        eaug_ref[:, D:D + 1] = cn
        eaug_ref[:, D + 1:D + 2] = jnp.ones((N, 1), jnp.float32)

    a = a_ref[...]
    dp = a - p_ref[...] + 1e-6
    dn = a - ng_ref[...] + 1e-6
    pos_d = jnp.sqrt(jax.lax.dot_general(dp * dp, ones_d,
                                         (((1,), (0,)), ((), ())),
                                         preferred_element_type=jnp.float32))
    neg_d = jnp.sqrt(jax.lax.dot_general(dn * dn, ones_d,
                                         (((1,), (0,)), ((), ())),
                                         preferred_element_type=jnp.float32))
    tri_ref[...] += jnp.sum(jnp.maximum(pos_d - neg_d + MARGIN, 0.0),
                            keepdims=True).reshape(1, 1)

    rows = er_ref[...]
    rn = jax.lax.dot_general(rows * rows, ones_d, (((1,), (0,)), ((), ())),
                             preferred_element_type=jnp.float32)
    rows_aug = jnp.concatenate(
        [rows, jnp.ones((BLK, 1), jnp.float32), rn], axis=1)
    sq_ref[...] = jax.lax.dot_general(rows_aug, eaug_ref[...],
                                      (((1,), (1,)), ((), ())),
                                      preferred_element_type=jnp.float32)


def _tc_stage(anchor, positive, negative, embeddings):
    return pl.pallas_call(
        _sq_kernel,
        grid=(N // BLK,),
        in_specs=[
            pl.BlockSpec((BLK, D), lambda i: (i, 0)),
            pl.BlockSpec((BLK, D), lambda i: (i, 0)),
            pl.BlockSpec((BLK, D), lambda i: (i, 0)),
            pl.BlockSpec((BLK, D), lambda i: (i, 0)),
            pl.BlockSpec((N, D), lambda i: (0, 0)),
        ],
        out_specs=[
            pl.BlockSpec((BLK, N), lambda i: (i, 0)),
            pl.BlockSpec((1, 1), lambda i: (0, 0)),
        ],
        out_shape=[
            jax.ShapeDtypeStruct((N, N), jnp.float32),
            jax.ShapeDtypeStruct((1, 1), jnp.float32),
        ],
        scratch_shapes=[pltpu.VMEM((N, D + 2), jnp.float32)],
    )(anchor, positive, negative, embeddings, embeddings)



def _splat(x):
    return jnp.full((L,), x, jnp.float32)


def _gather16(x, idx):
    dnums = lax.GatherDimensionNumbers(offset_dims=(),
                                       collapsed_slice_dims=(0,),
                                       start_index_map=(0,))
    return lax.gather(x, idx[:, None], dnums, (1,),
                      mode=lax.GatherScatterMode.PROMISE_IN_BOUNDS)


def _rot(x, k):
    idx = (lax.iota(jnp.int32, L) + k) & (L - 1)
    return _gather16(x, idx)


def _rotmin(x):
    for k in (8, 4, 2, 1):
        x = jnp.minimum(x, _rot(x, k))
    return x


def _rotsum(x):
    for k in (8, 4, 2, 1):
        x = x + _rot(x, k)
    return x


def _prefix(x):
    lane = lax.iota(jnp.int32, L)
    for k in (1, 2, 4, 8):
        sh = _gather16(x, jnp.maximum(lane - k, 0))
        x = x + jnp.where(lane >= k, sh, 0.0)
    return x


def _nsqrt(x):
    i = lax.bitcast_convert_type(x, jnp.int32)
    y = lax.bitcast_convert_type(
        jnp.int32(0x1FBD1DF5) + lax.shift_right_logical(i, 1), jnp.float32)
    for _ in range(3):
        y = 0.5 * (y + x / y)
    return y


def _sc_body(sq_hbm, out_hbm, rowbuf, accbuf):
    c = lax.axis_index("c")
    s = lax.axis_index("s")
    wid = s * 2 + c
    base = wid * ROWS_PER_W

    inf = jnp.full((L,), jnp.inf, jnp.float32)

    def row_body(r, acc):
        row_g = base + r
        pltpu.sync_copy(sq_hbm.at[pl.ds(row_g, 1)], rowbuf)

        def chunk(ci, carry):
            st = list(carry)
            for u in range(4):
                x = rowbuf[0, pl.ds((4 * ci + u) * L, L)]
                for lvl in range(K + 1):
                    lo = jnp.minimum(st[lvl], x)
                    x = jnp.maximum(st[lvl], x)
                    st[lvl] = lo
            return tuple(st)

        st = lax.fori_loop(0, (N // L) // 4, chunk,
                           tuple(inf for _ in range(K + 1)))
        work = list(st)

        rank_before = _splat(0.0)
        t_sq = _splat(0.0)
        count_less = _splat(0.0)
        nb6_sum = _splat(0.0)
        min_dm = _splat(0.0)
        for t in range(K + 1):
            mv = work[0]
            for w_ in work[1:]:
                mv = jnp.minimum(mv, w_)
            m = _rotmin(mv)
            cv = jnp.zeros((L,), jnp.float32)
            for w_ in work:
                cv = cv + jnp.where(w_ == m, 1.0, 0.0)
            cnt = _rotsum(cv)
            k = jnp.clip(_splat(float(K + 1)) - rank_before, 0.0, cnt)
            dm_t = _nsqrt(jnp.maximum(m, 1e-12))
            nb6_sum = nb6_sum + jnp.where(k > 0.0, k * dm_t, 0.0)
            if t == 0:
                min_dm = dm_t
            c_lo = jnp.where(rank_before < float(K + 1), 1.0, 0.0)
            c_hi = jnp.where(rank_before + cnt >= float(K + 1), 1.0, 0.0)
            c_f = c_lo * c_hi
            t_sq = t_sq + c_f * (m - t_sq)
            count_less = count_less + c_f * (rank_before - count_less)
            rank_before = rank_before + cnt
            if t < K:
                work = [jnp.where(w_ == m, jnp.inf, w_) for w_ in work]
        nb_sum = nb6_sum - min_dm

        sq16 = rowbuf[0, pl.ds(0, L)]
        dm16 = _nsqrt(jnp.maximum(sq16, 1e-12))
        col16 = lax.iota(jnp.int32, L)
        is_tie = jnp.where(sq16 == t_sq, 1.0, 0.0)
        tie_prefix = _prefix(is_tie) - is_tie
        lt_f = jnp.where(sq16 < t_sq, 1.0, 0.0)
        tie_ok = jnp.where(tie_prefix + count_less < float(K + 1), 1.0, 0.0)
        in_top6_f = jnp.minimum(lt_f + is_tie * tie_ok, 1.0)
        row_gv = jnp.full((L,), row_g, jnp.int32)
        is_self = jnp.where(col16 == row_gv, 1.0, 0.0)
        valid_f = (1.0 - is_self) * (1.0 - in_top6_f)
        rank = _prefix(valid_f)
        take_f = valid_f * jnp.where(rank <= float(K), 1.0, 0.0)
        nn_sum = _rotsum(take_f * dm16)

        loc = jnp.maximum(nb_sum / K - nn_sum / K + 0.1, 0.0)
        return acc + loc

    acc = lax.fori_loop(0, ROWS_PER_W, row_body, jnp.zeros((L,), jnp.float32))
    accbuf[...] = acc * (1.0 / L)
    pltpu.sync_copy(accbuf, out_hbm.at[wid])


def _sc_stage(sqm):
    mesh = plsc.VectorSubcoreMesh(core_axis_name="c", subcore_axis_name="s")
    f = functools.partial(
        pl.kernel,
        out_type=jax.ShapeDtypeStruct((NW, L), jnp.float32),
        mesh=mesh,
        scratch_types=[
            pltpu.VMEM((1, N), jnp.float32),
            pltpu.VMEM((L,), jnp.float32),
        ],
    )(_sc_body)
    return f(sqm)


def kernel(anchor, positive, negative, embeddings):
    sqm, tri_sum = _tc_stage(anchor, positive, negative, embeddings)
    part = _sc_stage(sqm)
    return tri_sum[0, 0] / N + ALPHA * (jnp.sum(part) / N)

# --- scband reference (transcript-rebuilt; emitter-appended) ---
"""Pipeline reference for scband-improved-face-metric-loss-62947040690558 (READ-ONLY COPY).

The authoritative reference and input builder live on the scoring server;
editing this copy changes nothing except your own understanding.
"""

import jax, jax.numpy as jnp
import numpy as np

MARGIN = 1.0
ALPHA = 0.3
K = 5


def _cdist(x, y):
    sq = jnp.sum(x * x, axis=1)[:, None] + jnp.sum(y * y, axis=1)[None, :] - 2.0 * (x @ y.T)
    return jnp.sqrt(jnp.maximum(sq, 1e-12))


def setup_inputs(seed: int = 0) -> dict:
    key = jax.random.key(seed)
    k1, k2, k3, k4 = jax.random.split(key, 4)
    B, D = 2048, 512
    return {
        "anchor": jax.random.normal(k1, (B, D), dtype=jnp.float32),
        "positive": jax.random.normal(k2, (B, D), dtype=jnp.float32),
        "negative": jax.random.normal(k3, (B, D), dtype=jnp.float32),
        "embeddings": jax.random.normal(k4, (B, D), dtype=jnp.float32),
    }


def reference(anchor, positive, negative, embeddings):
    # triplet term (torch F.pairwise_distance adds eps=1e-6 to the difference)
    pos_dist = jnp.linalg.norm(anchor - positive + 1e-6, axis=1)
    neg_dist = jnp.linalg.norm(anchor - negative + 1e-6, axis=1)
    triplet = jnp.mean(jnp.maximum(pos_dist - neg_dist + MARGIN, 0.0))

    # local preservation term
    Dm = _cdist(embeddings, embeddings)
    N = embeddings.shape[0]
    # k+1 smallest distances per row (self is first since diagonal ~0)
    _, idx = jax.lax.top_k(-Dm, K + 1)
    neighbors = idx[:, 1:]  # [N, K]
    nb_mask = jnp.zeros((N, N), dtype=bool).at[jnp.arange(N)[:, None], neighbors].set(True)
    mask = (~nb_mask) & (~jnp.eye(N, dtype=bool))  # j != i and j not a neighbor
    # first K non-neighbors in ascending index order (matches the python loop)
    keys = jnp.where(mask, jnp.arange(N)[None, :], N)
    non_nb = jnp.sort(keys, axis=1)[:, :K]
    nb_d = jnp.take_along_axis(Dm, neighbors, axis=1).mean(axis=1)
    nn_d = jnp.take_along_axis(Dm, non_nb, axis=1).mean(axis=1)
    local = jnp.sum(jnp.maximum(nb_d - nn_d + 0.1, 0.0)) / N

    return triplet + ALPHA * local

if __name__ == "__main__":
    import jax
    _d = setup_inputs()
    print(jax.jit(kernel)(*tuple(_d.values())))

</pallas_src>

<mosaic_0001>
#map = affine_map<(d0, d1) -> (0, 0)>
module attributes {stable_mosaic.version = 14 : i64} {
  func.func @_sc_body(%arg0: i32, %arg1: i32, %arg2: memref<2048x2048xf32, #tpu.memory_space<hbm>>, %arg3: memref<32x16xf32, #tpu.memory_space<hbm>>, %arg4: memref<1x2048xf32, #tpu.memory_space<vmem>>, %arg5: memref<16xf32, #tpu.memory_space<vmem>>) attributes {dimension_semantics = [#tpu.dimension_semantics<core_parallel>, #tpu.dimension_semantics<subcore_parallel>], iteration_bounds = array<i64: 2, 16>, scalar_prefetch = 0 : i64, scratch_operands = 2 : i64, tpu.core_type = #tpu.core_type<sc_vector_subcore>, window_params = [{transform_indices = #map}, {transform_indices = #map}]} {
    %mul3A = arith.constant 2 : i32
    %mul3A_0 = arith.muli %arg1, %mul3A : i32
    %add3A = arith.addi %mul3A_0, %arg0 : i32
    %mul3A_1 = arith.constant 64 : i32
    %mul3A_2 = arith.muli %add3A, %mul3A_1 : i32
    %broadcast_in_dim3A = arith.constant 0x7F800000 : f32
    %broadcast_in_dim3A_3 = vector.broadcast %broadcast_in_dim3A : f32 to vector<16xf32>
    %broadcast_in_dim3A_4 = arith.constant 0.000000e+00 : f32
    %broadcast_in_dim3A_5 = vector.broadcast %broadcast_in_dim3A_4 : f32 to vector<16xf32>
    %scan3A = arith.constant 0 : i32
    %scan3A_6 = arith.constant 64 : i32
    %scan3A_7 = arith.addi %scan3A, %scan3A_6 : i32
    %scan3A_8 = arith.constant 1 : i32
    %scan3A_9 = scf.for %scan3A_17 = %scan3A to %scan3A_7 step %scan3A_8 iter_args(%scan3A_18 = %broadcast_in_dim3A_5) -> (vector<16xf32>)  : i32 {
      %add3A_19 = arith.addi %mul3A_2, %scan3A_17 : i32
      "tpu.region"() ({
        %run_scoped3A = tpu.sem_alloc : memref<!tpu.dma_semaphore, #tpu.memory_space<semaphore_mem>>
        %dma_start3A = arith.constant 0 : i32
        %dma_start3A_1629 = tpu.memref_slice %arg2[%add3A_19, %dma_start3A] : memref<2048x2048xf32, #tpu.memory_space<hbm>> -> memref<1x2048xf32, #tpu.memory_space<hbm>>
        %dma_start3A_1630 = arith.constant 0 : i32
        %dma_start3A_1631 = tpu.memref_slice %arg2[%add3A_19, %dma_start3A_1630] : memref<2048x2048xf32, #tpu.memory_space<hbm>> -> memref<1x2048xf32, #tpu.memory_space<hbm>>
        tpu.enqueue_dma source(%dma_start3A_1631 : memref<1x2048xf32, #tpu.memory_space<hbm>>) target(%arg4 : memref<1x2048xf32, #tpu.memory_space<vmem>>) target_semaphore(%run_scoped3A : memref<!tpu.dma_semaphore, #tpu.memory_space<semaphore_mem>>)
        %dma_wait3A = arith.constant 0 : i32
        %dma_wait3A_1632 = tpu.memref_slice %arg2[%add3A_19, %dma_wait3A] : memref<2048x2048xf32, #tpu.memory_space<hbm>> -> memref<1x2048xf32, #tpu.memory_space<hbm>>
        %dma_wait3A_1633 = arith.constant 0 : i32
        %dma_wait3A_1634 = tpu.memref_slice %arg2[%add3A_19, %dma_wait3A_1633] : memref<2048x2048xf32, #tpu.memory_space<hbm>> -> memref<1x2048xf32, #tpu.memory_space<hbm>>
        tpu.wait_dma2 semaphore(%run_scoped3A : memref<!tpu.dma_semaphore, #tpu.memory_space<semaphore_mem>>) src(%dma_wait3A_1634 : memref<1x2048xf32, #tpu.memory_space<hbm>>) dst(%arg4 : memref<1x2048xf32, #tpu.memory_space<vmem>>)
        tpu.yield
      }) : () -> ()
      %scan3A_20 = arith.constant 0 : i32
      %scan3A_21 = arith.constant 32 : i32
      %scan3A_22 = arith.addi %scan3A_20, %scan3A_21 : i32
      %scan3A_23 = arith.constant 1 : i32
      %scan3A_24:6 = scf.for %scan3A_1629 = %scan3A_20 to %scan3A_22 step %scan3A_23 iter_args(%scan3A_1630 = %broadcast_in_dim3A_3, %scan3A_1631 = %broadcast_in_dim3A_3, %scan3A_1632 = %broadcast_in_dim3A_3, %scan3A_1633 = %broadcast_in_dim3A_3, %scan3A_1634 = %broadcast_in_dim3A_3, %scan3A_1635 = %broadcast_in_dim3A_3) -> (vector<16xf32>, vector<16xf32>, vector<16xf32>, vector<16xf32>, vector<16xf32>, vector<16xf32>)  : i32 {
        %mul3A_1636 = arith.constant 4 : i32
        %mul3A_1637 = arith.muli %mul3A_1636, %scan3A_1629 : i32
        %add3A_1638 = arith.constant 0 : i32
        %add3A_1639 = arith.addi %mul3A_1637, %add3A_1638 : i32
        %mul3A_1640 = arith.constant 16 : i32
        %mul3A_1641 = arith.muli %add3A_1639, %mul3A_1640 : i32
        %get3A_1642 = arith.constant 0 : i32
        %get3A_1643 = arith.index_cast %get3A_1642 : i32 to index
        %get3A_1644 = arith.index_cast %mul3A_1641 : i32 to index
        %get3A_1645 = tpu.vector_load %arg4[%get3A_1643, %get3A_1644] {strides = array<i32>} : memref<1x2048xf32, #tpu.memory_space<vmem>>, vector<1x16xf32>,
        %get3A_1646 = vector.shape_cast %get3A_1645 : vector<1x16xf32> to vector<16xf32>
        %min3A_1647 = arith.minimumf %scan3A_1630, %get3A_1646 : vector<16xf32>
        %max3A_1648 = arith.maximumf %scan3A_1630, %get3A_1646 : vector<16xf32>
        %min3A_1649 = arith.minimumf %scan3A_1631, %max3A_1648 : vector<16xf32>
        %max3A_1650 = arith.maximumf %scan3A_1631, %max3A_1648 : vector<16xf32>
        %min3A_1651 = arith.minimumf %scan3A_1632, %max3A_1650 : vector<16xf32>
        %max3A_1652 = arith.maximumf %scan3A_1632, %max3A_1650 : vector<16xf32>
        %min3A_1653 = arith.minimumf %scan3A_1633, %max3A_1652 : vector<16xf32>
        %max3A_1654 = arith.maximumf %scan3A_1633, %max3A_1652 : vector<16xf32>
        %min3A_1655 = arith.minimumf %scan3A_1634, %max3A_1654 : vector<16xf32>
        %max3A_1656 = arith.maximumf %scan3A_1634, %max3A_1654 : vector<16xf32>
        %min3A_1657 = arith.minimumf %scan3A_1635, %max3A_1656 : vector<16xf32>
        %max3A_1658 = arith.maximumf %scan3A_1635, %max3A_1656 : vector<16xf32>
        %mul3A_1659 = arith.constant 4 : i32
        %mul3A_1660 = arith.muli %mul3A_1659, %scan3A_1629 : i32
        %add3A_1661 = arith.constant 1 : i32
        %add3A_1662 = arith.addi %mul3A_1660, %add3A_1661 : i32
        %mul3A_1663 = arith.constant 16 : i32
        %mul3A_1664 = arith.muli %add3A_1662, %mul3A_1663 : i32
        %get3A_1665 = arith.constant 0 : i32
        %get3A_1666 = arith.index_cast %get3A_1665 : i32 to index
        %get3A_1667 = arith.index_cast %mul3A_1664 : i32 to index
        %get3A_1668 = tpu.vector_load %arg4[%get3A_1666, %get3A_1667] {strides = array<i32>} : memref<1x2048xf32, #tpu.memory_space<vmem>>, vector<1x16xf32>,
        %get3A_1669 = vector.shape_cast %get3A_1668 : vector<1x16xf32> to vector<16xf32>
        %min3A_1670 = arith.minimumf %min3A_1647, %get3A_1669 : vector<16xf32>
        %max3A_1671 = arith.maximumf %min3A_1647, %get3A_1669 : vector<16xf32>
        %min3A_1672 = arith.minimumf %min3A_1649, %max3A_1671 : vector<16xf32>
        %max3A_1673 = arith.maximumf %min3A_1649, %max3A_1671 : vector<16xf32>
        %min3A_1674 = arith.minimumf %min3A_1651, %max3A_1673 : vector<16xf32>
        %max3A_1675 = arith.maximumf %min3A_1651, %max3A_1673 : vector<16xf32>
        %min3A_1676 = arith.minimumf %min3A_1653, %max3A_1675 : vector<16xf32>
        %max3A_1677 = arith.maximumf %min3A_1653, %max3A_1675 : vector<16xf32>
        %min3A_1678 = arith.minimumf %min3A_1655, %max3A_1677 : vector<16xf32>
        %max3A_1679 = arith.maximumf %min3A_1655, %max3A_1677 : vector<16xf32>
        %min3A_1680 = arith.minimumf %min3A_1657, %max3A_1679 : vector<16xf32>
        %max3A_1681 = arith.maximumf %min3A_1657, %max3A_1679 : vector<16xf32>
        %mul3A_1682 = arith.constant 4 : i32
        %mul3A_1683 = arith.muli %mul3A_1682, %scan3A_1629 : i32
        %add3A_1684 = arith.constant 2 : i32
        %add3A_1685 = arith.addi %mul3A_1683, %add3A_1684 : i32
        %mul3A_1686 = arith.constant 16 : i32
        %mul3A_1687 = arith.muli %add3A_1685, %mul3A_1686 : i32
        %get3A_1688 = arith.constant 0 : i32
        %get3A_1689 = arith.index_cast %get3A_1688 : i32 to index
        %get3A_1690 = arith.index_cast %mul3A_1687 : i32 to index
        %get3A_1691 = tpu.vector_load %arg4[%get3A_1689, %get3A_1690] {strides = array<i32>} : memref<1x2048xf32, #tpu.memory_space<vmem>>, vector<1x16xf32>,
        %get3A_1692 = vector.shape_cast %get3A_1691 : vector<1x16xf32> to vector<16xf32>
        %min3A_1693 = arith.minimumf %min3A_1670, %get3A_1692 : vector<16xf32>
        %max3A_1694 = arith.maximumf %min3A_1670, %get3A_1692 : vector<16xf32>
        %min3A_1695 = arith.minimumf %min3A_1672, %max3A_1694 : vector<16xf32>
        %max3A_1696 = arith.maximumf %min3A_1672, %max3A_1694 : vector<16xf32>
        %min3A_1697 = arith.minimumf %min3A_1674, %max3A_1696 : vector<16xf32>
        %max3A_1698 = arith.maximumf %min3A_1674, %max3A_1696 : vector<16xf32>
        %min3A_1699 = arith.minimumf %min3A_1676, %max3A_1698 : vector<16xf32>
        %max3A_1700 = arith.maximumf %min3A_1676, %max3A_1698 : vector<16xf32>
        %min3A_1701 = arith.minimumf %min3A_1678, %max3A_1700 : vector<16xf32>
        %max3A_1702 = arith.maximumf %min3A_1678, %max3A_1700 : vector<16xf32>
        %min3A_1703 = arith.minimumf %min3A_1680, %max3A_1702 : vector<16xf32>
        %max3A_1704 = arith.maximumf %min3A_1680, %max3A_1702 : vector<16xf32>
        %mul3A_1705 = arith.constant 4 : i32
        %mul3A_1706 = arith.muli %mul3A_1705, %scan3A_1629 : i32
        %add3A_1707 = arith.constant 3 : i32
        %add3A_1708 = arith.addi %mul3A_1706, %add3A_1707 : i32
        %mul3A_1709 = arith.constant 16 : i32
        %mul3A_1710 = arith.muli %add3A_1708, %mul3A_1709 : i32
        %get3A_1711 = arith.constant 0 : i32
        %get3A_1712 = arith.index_cast %get3A_1711 : i32 to index
        %get3A_1713 = arith.index_cast %mul3A_1710 : i32 to index
        %get3A_1714 = tpu.vector_load %arg4[%get3A_1712, %get3A_1713] {strides = array<i32>} : memref<1x2048xf32, #tpu.memory_space<vmem>>, vector<1x16xf32>,
        %get3A_1715 = vector.shape_cast %get3A_1714 : vector<1x16xf32> to vector<16xf32>
        %min3A_1716 = arith.minimumf %min3A_1693, %get3A_1715 : vector<16xf32>
        %max3A_1717 = arith.maximumf %min3A_1693, %get3A_1715 : vector<16xf32>
        %min3A_1718 = arith.minimumf %min3A_1695, %max3A_1717 : vector<16xf32>
        %max3A_1719 = arith.maximumf %min3A_1695, %max3A_1717 : vector<16xf32>
        %min3A_1720 = arith.minimumf %min3A_1697, %max3A_1719 : vector<16xf32>
        %max3A_1721 = arith.maximumf %min3A_1697, %max3A_1719 : vector<16xf32>
        %min3A_1722 = arith.minimumf %min3A_1699, %max3A_1721 : vector<16xf32>
        %max3A_1723 = arith.maximumf %min3A_1699, %max3A_1721 : vector<16xf32>
        %min3A_1724 = arith.minimumf %min3A_1701, %max3A_1723 : vector<16xf32>
        %max3A_1725 = arith.maximumf %min3A_1701, %max3A_1723 : vector<16xf32>
        %min3A_1726 = arith.minimumf %min3A_1703, %max3A_1725 : vector<16xf32>
        %max3A_1727 = arith.maximumf %min3A_1703, %max3A_1725 : vector<16xf32>
        scf.yield %min3A_1716, %min3A_1718, %min3A_1720, %min3A_1722, %min3A_1724, %min3A_1726 : vector<16xf32>, vector<16xf32>, vector<16xf32>, vector<16xf32>, vector<16xf32>, vector<16xf32>
      }
      %scan3A_25 = arith.constant 32 : i32
      %broadcast_in_dim3A_26 = arith.constant 0.000000e+00 : f32
      %broadcast_in_dim3A_27 = vector.broadcast %broadcast_in_dim3A_26 : f32 to vector<16xf32>
      %broadcast_in_dim3A_28 = arith.constant 0.000000e+00 : f32
      %broadcast_in_dim3A_29 = vector.broadcast %broadcast_in_dim3A_28 : f32 to vector<16xf32>
      %broadcast_in_dim3A_30 = arith.constant 0.000000e+00 : f32
      %broadcast_in_dim3A_31 = vector.broadcast %broadcast_in_dim3A_30 : f32 to vector<16xf32>
      %broadcast_in_dim3A_32 = arith.constant 0.000000e+00 : f32
      %broadcast_in_dim3A_33 = vector.broadcast %broadcast_in_dim3A_32 : f32 to vector<16xf32>
      %broadcast_in_dim3A_34 = arith.constant 0.000000e+00 : f32
      %broadcast_in_dim3A_35 = vector.broadcast %broadcast_in_dim3A_34 : f32 to vector<16xf32>
      %min3A = arith.minimumf %scan3A_24#0, %scan3A_24#1 : vector<16xf32>
      %min3A_36 = arith.minimumf %min3A, %scan3A_24#2 : vector<16xf32>
      %min3A_37 = arith.minimumf %min3A_36, %scan3A_24#3 : vector<16xf32>
      %min3A_38 = arith.minimumf %min3A_37, %scan3A_24#4 : vector<16xf32>
      %min3A_39 = arith.minimumf %min3A_38, %scan3A_24#5 : vector<16xf32>
      %iota3A = tpu.iota {dimensions = array<i32: 0>} : vector<16xi32>
      %add3A_40 = arith.constant 8 : i32
      %add3A_41 = vector.broadcast %add3A_40 : i32 to vector<16xi32>
      %add3A_42 = arith.addi %iota3A, %add3A_41 : vector<16xi32>
      %and3A = arith.constant 15 : i32
      %and3A_43 = vector.broadcast %and3A : i32 to vector<16xi32>
      %and3A_44 = arith.andi %add3A_42, %and3A_43 : vector<16xi32>
      %broadcast_in_dim3A_45 = vector.shape_cast %and3A_44 : vector<16xi32> to vector<16x1xi32>
      %gather3A = vector.shape_cast %broadcast_in_dim3A_45 : vector<16x1xi32> to vector<16xi32>
      %gather3A_46 = tpu.dynamic_gather %min3A_39[%gather3A] in [0] : vector<16xf32>, vector<16xi32> -> vector<16xf32>
      %min3A_47 = arith.minimumf %min3A_39, %gather3A_46 : vector<16xf32>
      %iota3A_48 = tpu.iota {dimensions = array<i32: 0>} : vector<16xi32>
      %add3A_49 = arith.constant 4 : i32
      %add3A_50 = vector.broadcast %add3A_49 : i32 to vector<16xi32>
      %add3A_51 = arith.addi %iota3A_48, %add3A_50 : vector<16xi32>
      %and3A_52 = arith.constant 15 : i32
      %and3A_53 = vector.broadcast %and3A_52 : i32 to vector<16xi32>
      %and3A_54 = arith.andi %add3A_51, %and3A_53 : vector<16xi32>
      %broadcast_in_dim3A_55 = vector.shape_cast %and3A_54 : vector<16xi32> to vector<16x1xi32>
      %gather3A_56 = vector.shape_cast %broadcast_in_dim3A_55 : vector<16x1xi32> to vector<16xi32>
      %gather3A_57 = tpu.dynamic_gather %min3A_47[%gather3A_56] in [0] : vector<16xf32>, vector<16xi32> -> vector<16xf32>
      %min3A_58 = arith.minimumf %min3A_47, %gather3A_57 : vector<16xf32>
      %iota3A_59 = tpu.iota {dimensions = array<i32: 0>} : vector<16xi32>
      %add3A_60 = arith.constant 2 : i32
      %add3A_61 = vector.broadcast %add3A_60 : i32 to vector<16xi32>
      %add3A_62 = arith.addi %iota3A_59, %add3A_61 : vector<16xi32>
      %and3A_63 = arith.constant 15 : i32
      %and3A_64 = vector.broadcast %and3A_63 : i32 to vector<16xi32>
      %and3A_65 = arith.andi %add3A_62, %and3A_64 : vector<16xi32>
      %broadcast_in_dim3A_66 = vector.shape_cast %and3A_65 : vector<16xi32> to vector<16x1xi32>
      %gather3A_67 = vector.shape_cast %broadcast_in_dim3A_66 : vector<16x1xi32> to vector<16xi32>
      %gather3A_68 = tpu.dynamic_gather %min3A_58[%gather3A_67] in [0] : vector<16xf32>, vector<16xi32> -> vector<16xf32>
      %min3A_69 = arith.minimumf %min3A_58, %gather3A_68 : vector<16xf32>
      %iota3A_70 = tpu.iota {dimensions = array<i32: 0>} : vector<16xi32>
      %add3A_71 = arith.constant 1 : i32
      %add3A_72 = vector.broadcast %add3A_71 : i32 to vector<16xi32>
      %add3A_73 = arith.addi %iota3A_70, %add3A_72 : vector<16xi32>
      %and3A_74 = arith.constant 15 : i32
      %and3A_75 = vector.broadcast %and3A_74 : i32 to vector<16xi32>
      %and3A_76 = arith.andi %add3A_73, %and3A_75 : vector<16xi32>
      %broadcast_in_dim3A_77 = vector.shape_cast %and3A_76 : vector<16xi32> to vector<16x1xi32>
      %gather3A_78 = vector.shape_cast %broadcast_in_dim3A_77 : vector<16x1xi32> to vector<16xi32>
      %gather3A_79 = tpu.dynamic_gather %min3A_69[%gather3A_78] in [0] : vector<16xf32>, vector<16xi32> -> vector<16xf32>
      %min3A_80 = arith.minimumf %min3A_69, %gather3A_79 : vector<16xf32>
      %broadcast_in_dim3A_81 = arith.constant 0.000000e+00 : f32
      %broadcast_in_dim3A_82 = vector.broadcast %broadcast_in_dim3A_81 : f32 to vector<16xf32>
      %eq3A = arith.cmpf oeq, %scan3A_24#0, %min3A_80 : vector<16xf32>
      %jit3A = arith.constant 1.000000e+00 : f32
      %jit3A_83 = arith.constant 0.000000e+00 : f32
      %broadcast_in_dim3A_84 = vector.broadcast %jit3A : f32 to vector<16xf32>
      %broadcast_in_dim3A_85 = vector.broadcast %jit3A_83 : f32 to vector<16xf32>
      %select_n3A = arith.select %eq3A, %broadcast_in_dim3A_84, %broadcast_in_dim3A_85 : vector<16xi1>, vector<16xf32>
      %add3A_86 = arith.addf %broadcast_in_dim3A_82, %select_n3A : vector<16xf32>
      %eq3A_87 = arith.cmpf oeq, %scan3A_24#1, %min3A_80 : vector<16xf32>
      %jit3A_88 = arith.constant 1.000000e+00 : f32
      %jit3A_89 = arith.constant 0.000000e+00 : f32
      %broadcast_in_dim3A_90 = vector.broadcast %jit3A_88 : f32 to vector<16xf32>
      %broadcast_in_dim3A_91 = vector.broadcast %jit3A_89 : f32 to vector<16xf32>
      %select_n3A_92 = arith.select %eq3A_87, %broadcast_in_dim3A_90, %broadcast_in_dim3A_91 : vector<16xi1>, vector<16xf32>
      %add3A_93 = arith.addf %add3A_86, %select_n3A_92 : vector<16xf32>
      %eq3A_94 = arith.cmpf oeq, %scan3A_24#2, %min3A_80 : vector<16xf32>
      %jit3A_95 = arith.constant 1.000000e+00 : f32
      %jit3A_96 = arith.constant 0.000000e+00 : f32
      %broadcast_in_dim3A_97 = vector.broadcast %jit3A_95 : f32 to vector<16xf32>
      %broadcast_in_dim3A_98 = vector.broadcast %jit3A_96 : f32 to vector<16xf32>
      %select_n3A_99 = arith.select %eq3A_94, %broadcast_in_dim3A_97, %broadcast_in_dim3A_98 : vector<16xi1>, vector<16xf32>
      %add3A_100 = arith.addf %add3A_93, %select_n3A_99 : vector<16xf32>
      %eq3A_101 = arith.cmpf oeq, %scan3A_24#3, %min3A_80 : vector<16xf32>
      %jit3A_102 = arith.constant 1.000000e+00 : f32
      %jit3A_103 = arith.constant 0.000000e+00 : f32
      %broadcast_in_dim3A_104 = vector.broadcast %jit3A_102 : f32 to vector<16xf32>
      %broadcast_in_dim3A_105 = vector.broadcast %jit3A_103 : f32 to vector<16xf32>
      %select_n3A_106 = arith.select %eq3A_101, %broadcast_in_dim3A_104, %broadcast_in_dim3A_105 : vector<16xi1>, vector<16xf32>
      %add3A_107 = arith.addf %add3A_100, %select_n3A_106 : vector<16xf32>
      %eq3A_108 = arith.cmpf oeq, %scan3A_24#4, %min3A_80 : vector<16xf32>
      %jit3A_109 = arith.constant 1.000000e+00 : f32
      %jit3A_110 = arith.constant 0.000000e+00 : f32
      %broadcast_in_dim3A_111 = vector.broadcast %jit3A_109 : f32 to vector<16xf32>
      %broadcast_in_dim3A_112 = vector.broadcast %jit3A_110 : f32 to vector<16xf32>
      %select_n3A_113 = arith.select %eq3A_108, %broadcast_in_dim3A_111, %broadcast_in_dim3A_112 : vector<16xi1>, vector<16xf32>
      %add3A_114 = arith.addf %add3A_107, %select_n3A_113 : vector<16xf32>
      %eq3A_115 = arith.cmpf oeq, %scan3A_24#5, %min3A_80 : vector<16xf32>
      %jit3A_116 = arith.constant 1.000000e+00 : f32
      %jit3A_117 = arith.constant 0.000000e+00 : f32
      %broadcast_in_dim3A_118 = vector.broadcast %jit3A_116 : f32 to vector<16xf32>
      %broadcast_in_dim3A_119 = vector.broadcast %jit3A_117 : f32 to vector<16xf32>
      %select_n3A_120 = arith.select %eq3A_115, %broadcast_in_dim3A_118, %broadcast_in_dim3A_119 : vector<16xi1>, vector<16xf32>
      %add3A_121 = arith.addf %add3A_114, %select_n3A_120 : vector<16xf32>
      %iota3A_122 = tpu.iota {dimensions = array<i32: 0>} : vector<16xi32>
      %add3A_123 = arith.constant 8 : i32
      %add3A_124 = vector.broadcast %add3A_123 : i32 to vector<16xi32>
      %add3A_125 = arith.addi %iota3A_122, %add3A_124 : vector<16xi32>
      %and3A_126 = arith.constant 15 : i32
      %and3A_127 = vector.broadcast %and3A_126 : i32 to vector<16xi32>
      %and3A_128 = arith.andi %add3A_125, %and3A_127 : vector<16xi32>
      %broadcast_in_dim3A_129 = vector.shape_cast %and3A_128 : vector<16xi32> to vector<16x1xi32>
      %gather3A_130 = vector.shape_cast %broadcast_in_dim3A_129 : vector<16x1xi32> to vector<16xi32>
      %gather3A_131 = tpu.dynamic_gather %add3A_121[%gather3A_130] in [0] : vector<16xf32>, vector<16xi32> -> vector<16xf32>
      %add3A_132 = arith.addf %add3A_121, %gather3A_131 : vector<16xf32>
      %iota3A_133 = tpu.iota {dimensions = array<i32: 0>} : vector<16xi32>
      %add3A_134 = arith.constant 4 : i32
      %add3A_135 = vector.broadcast %add3A_134 : i32 to vector<16xi32>
      %add3A_136 = arith.addi %iota3A_133, %add3A_135 : vector<16xi32>
      %and3A_137 = arith.constant 15 : i32
      %and3A_138 = vector.broadcast %and3A_137 : i32 to vector<16xi32>
      %and3A_139 = arith.andi %add3A_136, %and3A_138 : vector<16xi32>
      %broadcast_in_dim3A_140 = vector.shape_cast %and3A_139 : vector<16xi32> to vector<16x1xi32>
      %gather3A_141 = vector.shape_cast %broadcast_in_dim3A_140 : vector<16x1xi32> to vector<16xi32>
      %gather3A_142 = tpu.dynamic_gather %add3A_132[%gather3A_141] in [0] : vector<16xf32>, vector<16xi32> -> vector<16xf32>
      %add3A_143 = arith.addf %add3A_132, %gather3A_142 : vector<16xf32>
      %iota3A_144 = tpu.iota {dimensions = array<i32: 0>} : vector<16xi32>
      %add3A_145 = arith.constant 2 : i32
      %add3A_146 = vector.broadcast %add3A_145 : i32 to vector<16xi32>
      %add3A_147 = arith.addi %iota3A_144, %add3A_146 : vector<16xi32>
      %and3A_148 = arith.constant 15 : i32
      %and3A_149 = vector.broadcast %and3A_148 : i32 to vector<16xi32>
      %and3A_150 = arith.andi %add3A_147, %and3A_149 : vector<16xi32>
      %broadcast_in_dim3A_151 = vector.shape_cast %and3A_150 : vector<16xi32> to vector<16x1xi32>
      %gather3A_152 = vector.shape_cast %broadcast_in_dim3A_151 : vector<16x1xi32> to vector<16xi32>
      %gather3A_153 = tpu.dynamic_gather %add3A_143[%gather3A_152] in [0] : vector<16xf32>, vector<16xi32> -> vector<16xf32>
      %add3A_154 = arith.addf %add3A_143, %gather3A_153 : vector<16xf32>
      %iota3A_155 = tpu.iota {dimensions = array<i32: 0>} : vector<16xi32>
      %add3A_156 = arith.constant 1 : i32
      %add3A_157 = vector.broadcast %add3A_156 : i32 to vector<16xi32>
      %add3A_158 = arith.addi %iota3A_155, %add3A_157 : vector<16xi32>
      %and3A_159 = arith.constant 15 : i32
      %and3A_160 = vector.broadcast %and3A_159 : i32 to vector<16xi32>
      %and3A_161 = arith.andi %add3A_158, %and3A_160 : vector<16xi32>
      %broadcast_in_dim3A_162 = vector.shape_cast %and3A_161 : vector<16xi32> to vector<16x1xi32>
      %gather3A_163 = vector.shape_cast %broadcast_in_dim3A_162 : vector<16x1xi32> to vector<16xi32>
      %gather3A_164 = tpu.dynamic_gather %add3A_154[%gather3A_163] in [0] : vector<16xf32>, vector<16xi32> -> vector<16xf32>
      %add3A_165 = arith.addf %add3A_154, %gather3A_164 : vector<16xf32>
      %broadcast_in_dim3A_166 = arith.constant 6.000000e+00 : f32
      %broadcast_in_dim3A_167 = vector.broadcast %broadcast_in_dim3A_166 : f32 to vector<16xf32>
      %sub3A = arith.subf %broadcast_in_dim3A_167, %broadcast_in_dim3A_27 : vector<16xf32>
      %jit3A_168 = arith.constant 0.000000e+00 : f32
      %max3A = vector.broadcast %jit3A_168 : f32 to vector<16xf32>
      %max3A_169 = arith.maximumf %max3A, %sub3A : vector<16xf32>
      %min3A_170 = arith.minimumf %add3A_165, %max3A_169 : vector<16xf32>
      %max3A_171 = arith.constant 9.99999996E-13 : f32
      %max3A_172 = vector.broadcast %max3A_171 : f32 to vector<16xf32>
      %max3A_173 = arith.maximumf %min3A_80, %max3A_172 : vector<16xf32>
      %bitcast_convert_type3A = tpu.bitcast %max3A_173 : vector<16xf32> -> vector<16xi32>
      %shift_right_logical3A = arith.constant 1 : i32
      %shift_right_logical3A_174 = vector.broadcast %shift_right_logical3A : i32 to vector<16xi32>
      %shift_right_logical3A_175 = arith.shrui %bitcast_convert_type3A, %shift_right_logical3A_174 : vector<16xi32>
      %add3A_176 = arith.constant 532487669 : i32
      %add3A_177 = vector.broadcast %add3A_176 : i32 to vector<16xi32>
      %add3A_178 = arith.addi %add3A_177, %shift_right_logical3A_175 : vector<16xi32>
      %bitcast_convert_type3A_179 = tpu.bitcast %add3A_178 : vector<16xi32> -> vector<16xf32>
      %div3A = arith.divf %max3A_173, %bitcast_convert_type3A_179 : vector<16xf32>
      %add3A_180 = arith.addf %bitcast_convert_type3A_179, %div3A : vector<16xf32>
      %mul3A_181 = arith.constant 5.000000e-01 : f32
      %mul3A_182 = vector.broadcast %mul3A_181 : f32 to vector<16xf32>
      %mul3A_183 = arith.mulf %mul3A_182, %add3A_180 : vector<16xf32>
      %div3A_184 = arith.divf %max3A_173, %mul3A_183 : vector<16xf32>
      %add3A_185 = arith.addf %mul3A_183, %div3A_184 : vector<16xf32>
      %mul3A_186 = arith.constant 5.000000e-01 : f32
      %mul3A_187 = vector.broadcast %mul3A_186 : f32 to vector<16xf32>
      %mul3A_188 = arith.mulf %mul3A_187, %add3A_185 : vector<16xf32>
      %div3A_189 = arith.divf %max3A_173, %mul3A_188 : vector<16xf32>
      %add3A_190 = arith.addf %mul3A_188, %div3A_189 : vector<16xf32>
      %mul3A_191 = arith.constant 5.000000e-01 : f32
      %mul3A_192 = vector.broadcast %mul3A_191 : f32 to vector<16xf32>
      %mul3A_193 = arith.mulf %mul3A_192, %add3A_190 : vector<16xf32>
      %gt3A = arith.constant 0.000000e+00 : f32
      %gt3A_194 = vector.broadcast %gt3A : f32 to vector<16xf32>
      %gt3A_195 = arith.cmpf ogt, %min3A_170, %gt3A_194 : vector<16xf32>
      %mul3A_196 = arith.mulf %min3A_170, %mul3A_193 : vector<16xf32>
      %jit3A_197 = arith.constant 0.000000e+00 : f32
      %broadcast_in_dim3A_198 = vector.broadcast %jit3A_197 : f32 to vector<16xf32>
      %select_n3A_199 = arith.select %gt3A_195, %mul3A_196, %broadcast_in_dim3A_198 : vector<16xi1>, vector<16xf32>
      %add3A_200 = arith.addf %broadcast_in_dim3A_33, %select_n3A_199 : vector<16xf32>
      %lt3A = arith.constant 6.000000e+00 : f32
      %lt3A_201 = vector.broadcast %lt3A : f32 to vector<16xf32>
      %lt3A_202 = arith.cmpf olt, %broadcast_in_dim3A_27, %lt3A_201 : vector<16xf32>
      %jit3A_203 = arith.constant 1.000000e+00 : f32
      %jit3A_204 = arith.constant 0.000000e+00 : f32
      %broadcast_in_dim3A_205 = vector.broadcast %jit3A_203 : f32 to vector<16xf32>
      %broadcast_in_dim3A_206 = vector.broadcast %jit3A_204 : f32 to vector<16xf32>
      %select_n3A_207 = arith.select %lt3A_202, %broadcast_in_dim3A_205, %broadcast_in_dim3A_206 : vector<16xi1>, vector<16xf32>
      %add3A_208 = arith.addf %broadcast_in_dim3A_27, %add3A_165 : vector<16xf32>
      %ge3A = arith.constant 6.000000e+00 : f32
      %ge3A_209 = vector.broadcast %ge3A : f32 to vector<16xf32>
      %ge3A_210 = arith.cmpf oge, %add3A_208, %ge3A_209 : vector<16xf32>
      %jit3A_211 = arith.constant 1.000000e+00 : f32
      %jit3A_212 = arith.constant 0.000000e+00 : f32
      %broadcast_in_dim3A_213 = vector.broadcast %jit3A_211 : f32 to vector<16xf32>
      %broadcast_in_dim3A_214 = vector.broadcast %jit3A_212 : f32 to vector<16xf32>
      %select_n3A_215 = arith.select %ge3A_210, %broadcast_in_dim3A_213, %broadcast_in_dim3A_214 : vector<16xi1>, vector<16xf32>
      %mul3A_216 = arith.mulf %select_n3A_207, %select_n3A_215 : vector<16xf32>
      %sub3A_217 = arith.subf %min3A_80, %broadcast_in_dim3A_29 : vector<16xf32>
      %mul3A_218 = arith.mulf %mul3A_216, %sub3A_217 : vector<16xf32>
      %add3A_219 = arith.addf %broadcast_in_dim3A_29, %mul3A_218 : vector<16xf32>
      %sub3A_220 = arith.subf %broadcast_in_dim3A_27, %broadcast_in_dim3A_31 : vector<16xf32>
      %mul3A_221 = arith.mulf %mul3A_216, %sub3A_220 : vector<16xf32>
      %add3A_222 = arith.addf %broadcast_in_dim3A_31, %mul3A_221 : vector<16xf32>
      %add3A_223 = arith.addf %broadcast_in_dim3A_27, %add3A_165 : vector<16xf32>
      %eq3A_224 = arith.cmpf oeq, %scan3A_24#0, %min3A_80 : vector<16xf32>
      %jit3A_225 = arith.constant 0x7F800000 : f32
      %broadcast_in_dim3A_226 = vector.broadcast %jit3A_225 : f32 to vector<16xf32>
      %select_n3A_227 = arith.select %eq3A_224, %broadcast_in_dim3A_226, %scan3A_24#0 : vector<16xi1>, vector<16xf32>
      %eq3A_228 = arith.cmpf oeq, %scan3A_24#1, %min3A_80 : vector<16xf32>
      %jit3A_229 = arith.constant 0x7F800000 : f32
      %broadcast_in_dim3A_230 = vector.broadcast %jit3A_229 : f32 to vector<16xf32>
      %select_n3A_231 = arith.select %eq3A_228, %broadcast_in_dim3A_230, %scan3A_24#1 : vector<16xi1>, vector<16xf32>
      %eq3A_232 = arith.cmpf oeq, %scan3A_24#2, %min3A_80 : vector<16xf32>
      %jit3A_233 = arith.constant 0x7F800000 : f32
      %broadcast_in_dim3A_234 = vector.broadcast %jit3A_233 : f32 to vector<16xf32>
      %select_n3A_235 = arith.select %eq3A_232, %broadcast_in_dim3A_234, %scan3A_24#2 : vector<16xi1>, vector<16xf32>
      %eq3A_236 = arith.cmpf oeq, %scan3A_24#3, %min3A_80 : vector<16xf32>
      %jit3A_237 = arith.constant 0x7F800000 : f32
      %broadcast_in_dim3A_238 = vector.broadcast %jit3A_237 : f32 to vector<16xf32>
      %select_n3A_239 = arith.select %eq3A_236, %broadcast_in_dim3A_238, %scan3A_24#3 : vector<16xi1>, vector<16xf32>
      %eq3A_240 = arith.cmpf oeq, %scan3A_24#4, %min3A_80 : vector<16xf32>
      %jit3A_241 = arith.constant 0x7F800000 : f32
      %broadcast_in_dim3A_242 = vector.broadcast %jit3A_241 : f32 to vector<16xf32>
      %select_n3A_243 = arith.select %eq3A_240, %broadcast_in_dim3A_242, %scan3A_24#4 : vector<16xi1>, vector<16xf32>
      %eq3A_244 = arith.cmpf oeq, %scan3A_24#5, %min3A_80 : vector<16xf32>
      %jit3A_245 = arith.constant 0x7F800000 : f32
      %broadcast_in_dim3A_246 = vector.broadcast %jit3A_245 : f32 to vector<16xf32>
      %select_n3A_247 = arith.select %eq3A_244, %broadcast_in_dim3A_246, %scan3A_24#5 : vector<16xi1>, vector<16xf32>
      %min3A_248 = arith.minimumf %select_n3A_227, %select_n3A_231 : vector<16xf32>
      %min3A_249 = arith.minimumf %min3A_248, %select_n3A_235 : vector<16xf32>
      %min3A_250 = arith.minimumf %min3A_249, %select_n3A_239 : vector<16xf32>
      %min3A_251 = arith.minimumf %min3A_250, %select_n3A_243 : vector<16xf32>
      %min3A_252 = arith.minimumf %min3A_251, %select_n3A_247 : vector<16xf32>
      %iota3A_253 = tpu.iota {dimensions = array<i32: 0>} : vector<16xi32>
      %add3A_254 = arith.constant 8 : i32
      %add3A_255 = vector.broadcast %add3A_254 : i32 to vector<16xi32>
      %add3A_256 = arith.addi %iota3A_253, %add3A_255 : vector<16xi32>
      %and3A_257 = arith.constant 15 : i32
      %and3A_258 = vector.broadcast %and3A_257 : i32 to vector<16xi32>
      %and3A_259 = arith.andi %add3A_256, %and3A_258 : vector<16xi32>
      %broadcast_in_dim3A_260 = vector.shape_cast %and3A_259 : vector<16xi32> to vector<16x1xi32>
      %gather3A_261 = vector.shape_cast %broadcast_in_dim3A_260 : vector<16x1xi32> to vector<16xi32>
      %gather3A_262 = tpu.dynamic_gather %min3A_252[%gather3A_261] in [0] : vector<16xf32>, vector<16xi32> -> vector<16xf32>
      %min3A_263 = arith.minimumf %min3A_252, %gather3A_262 : vector<16xf32>
      %iota3A_264 = tpu.iota {dimensions = array<i32: 0>} : vector<16xi32>
      %add3A_265 = arith.constant 4 : i32
      %add3A_266 = vector.broadcast %add3A_265 : i32 to vector<16xi32>
      %add3A_267 = arith.addi %iota3A_264, %add3A_266 : vector<16xi32>
      %and3A_268 = arith.constant 15 : i32
      %and3A_269 = vector.broadcast %and3A_268 : i32 to vector<16xi32>
      %and3A_270 = arith.andi %add3A_267, %and3A_269 : vector<16xi32>
      %broadcast_in_dim3A_271 = vector.shape_cast %and3A_270 : vector<16xi32> to vector<16x1xi32>
      %gather3A_272 = vector.shape_cast %broadcast_in_dim3A_271 : vector<16x1xi32> to vector<16xi32>
      %gather3A_273 = tpu.dynamic_gather %min3A_263[%gather3A_272] in [0] : vector<16xf32>, vector<16xi32> -> vector<16xf32>
      %min3A_274 = arith.minimumf %min3A_263, %gather3A_273 : vector<16xf32>
      %iota3A_275 = tpu.iota {dimensions = array<i32: 0>} : vector<16xi32>
      %add3A_276 = arith.constant 2 : i32
      %add3A_277 = vector.broadcast %add3A_276 : i32 to vector<16xi32>
      %add3A_278 = arith.addi %iota3A_275, %add3A_277 : vector<16xi32>
      %and3A_279 = arith.constant 15 : i32
      %and3A_280 = vector.broadcast %and3A_279 : i32 to vector<16xi32>
      %and3A_281 = arith.andi %add3A_278, %and3A_280 : vector<16xi32>
      %broadcast_in_dim3A_282 = vector.shape_cast %and3A_281 : vector<16xi32> to vector<16x1xi32>
      %gather3A_283 = vector.shape_cast %broadcast_in_dim3A_282 : vector<16x1xi32> to vector<16xi32>
      %gather3A_284 = tpu.dynamic_gather %min3A_274[%gather3A_283] in [0] : vector<16xf32>, vector<16xi32> -> vector<16xf32>
      %min3A_285 = arith.minimumf %min3A_274, %gather3A_284 : vector<16xf32>
      %iota3A_286 = tpu.iota {dimensions = array<i32: 0>} : vector<16xi32>
      %add3A_287 = arith.constant 1 : i32
      %add3A_288 = vector.broadcast %add3A_287 : i32 to vector<16xi32>
      %add3A_289 = arith.addi %iota3A_286, %add3A_288 : vector<16xi32>
      %and3A_290 = arith.constant 15 : i32
      %and3A_291 = vector.broadcast %and3A_290 : i32 to vector<16xi32>
      %and3A_292 = arith.andi %add3A_289, %and3A_291 : vector<16xi32>
      %broadcast_in_dim3A_293 = vector.shape_cast %and3A_292 : vector<16xi32> to vector<16x1xi32>
      %gather3A_294 = vector.shape_cast %broadcast_in_dim3A_293 : vector<16x1xi32> to vector<16xi32>
      %gather3A_295 = tpu.dynamic_gather %min3A_285[%gather3A_294] in [0] : vector<16xf32>, vector<16xi32> -> vector<16xf32>
      %min3A_296 = arith.minimumf %min3A_285, %gather3A_295 : vector<16xf32>
      %broadcast_in_dim3A_297 = arith.constant 0.000000e+00 : f32
      %broadcast_in_dim3A_298 = vector.broadcast %broadcast_in_dim3A_297 : f32 to vector<16xf32>
      %eq3A_299 = arith.cmpf oeq, %select_n3A_227, %min3A_296 : vector<16xf32>
      %jit3A_300 = arith.constant 1.000000e+00 : f32
      %jit3A_301 = arith.constant 0.000000e+00 : f32
      %broadcast_in_dim3A_302 = vector.broadcast %jit3A_300 : f32 to vector<16xf32>
      %broadcast_in_dim3A_303 = vector.broadcast %jit3A_301 : f32 to vector<16xf32>
      %select_n3A_304 = arith.select %eq3A_299, %broadcast_in_dim3A_302, %broadcast_in_dim3A_303 : vector<16xi1>, vector<16xf32>
      %add3A_305 = arith.addf %broadcast_in_dim3A_298, %select_n3A_304 : vector<16xf32>
      %eq3A_306 = arith.cmpf oeq, %select_n3A_231, %min3A_296 : vector<16xf32>
      %jit3A_307 = arith.constant 1.000000e+00 : f32
      %jit3A_308 = arith.constant 0.000000e+00 : f32
      %broadcast_in_dim3A_309 = vector.broadcast %jit3A_307 : f32 to vector<16xf32>
      %broadcast_in_dim3A_310 = vector.broadcast %jit3A_308 : f32 to vector<16xf32>
      %select_n3A_311 = arith.select %eq3A_306, %broadcast_in_dim3A_309, %broadcast_in_dim3A_310 : vector<16xi1>, vector<16xf32>
      %add3A_312 = arith.addf %add3A_305, %select_n3A_311 : vector<16xf32>
      %eq3A_313 = arith.cmpf oeq, %select_n3A_235, %min3A_296 : vector<16xf32>
      %jit3A_314 = arith.constant 1.000000e+00 : f32
      %jit3A_315 = arith.constant 0.000000e+00 : f32
      %broadcast_in_dim3A_316 = vector.broadcast %jit3A_314 : f32 to vector<16xf32>
      %broadcast_in_dim3A_317 = vector.broadcast %jit3A_315 : f32 to vector<16xf32>
      %select_n3A_318 = arith.select %eq3A_313, %broadcast_in_dim3A_316, %broadcast_in_dim3A_317 : vector<16xi1>, vector<16xf32>
      %add3A_319 = arith.addf %add3A_312, %select_n3A_318 : vector<16xf32>
      %eq3A_320 = arith.cmpf oeq, %select_n3A_239, %min3A_296 : vector<16xf32>
      %jit3A_321 = arith.constant 1.000000e+00 : f32
      %jit3A_322 = arith.constant 0.000000e+00 : f32
      %broadcast_in_dim3A_323 = vector.broadcast %jit3A_321 : f32 to vector<16xf32>
      %broadcast_in_dim3A_324 = vector.broadcast %jit3A_322 : f32 to vector<16xf32>
      %select_n3A_325 = arith.select %eq3A_320, %broadcast_in_dim3A_323, %broadcast_in_dim3A_324 : vector<16xi1>, vector<16xf32>
      %add3A_326 = arith.addf %add3A_319, %select_n3A_325 : vector<16xf32>
      %eq3A_327 = arith.cmpf oeq, %select_n3A_243, %min3A_296 : vector<16xf32>
      %jit3A_328 = arith.constant 1.000000e+00 : f32
      %jit3A_329 = arith.constant 0.000000e+00 : f32
      %broadcast_in_dim3A_330 = vector.broadcast %jit3A_328 : f32 to vector<16xf32>
      %broadcast_in_dim3A_331 = vector.broadcast %jit3A_329 : f32 to vector<16xf32>
      %select_n3A_332 = arith.select %eq3A_327, %broadcast_in_dim3A_330, %broadcast_in_dim3A_331 : vector<16xi1>, vector<16xf32>
      %add3A_333 = arith.addf %add3A_326, %select_n3A_332 : vector<16xf32>
      %eq3A_334 = arith.cmpf oeq, %select_n3A_247, %min3A_296 : vector<16xf32>
      %jit3A_335 = arith.constant 1.000000e+00 : f32
      %jit3A_336 = arith.constant 0.000000e+00 : f32
      %broadcast_in_dim3A_337 = vector.broadcast %jit3A_335 : f32 to vector<16xf32>
      %broadcast_in_dim3A_338 = vector.broadcast %jit3A_336 : f32 to vector<16xf32>
      %select_n3A_339 = arith.select %eq3A_334, %broadcast_in_dim3A_337, %broadcast_in_dim3A_338 : vector<16xi1>, vector<16xf32>
      %add3A_340 = arith.addf %add3A_333, %select_n3A_339 : vector<16xf32>
      %iota3A_341 = tpu.iota {dimensions = array<i32: 0>} : vector<16xi32>
      %add3A_342 = arith.constant 8 : i32
      %add3A_343 = vector.broadcast %add3A_342 : i32 to vector<16xi32>
      %add3A_344 = arith.addi %iota3A_341, %add3A_343 : vector<16xi32>
      %and3A_345 = arith.constant 15 : i32
      %and3A_346 = vector.broadcast %and3A_345 : i32 to vector<16xi32>
      %and3A_347 = arith.andi %add3A_344, %and3A_346 : vector<16xi32>
      %broadcast_in_dim3A_348 = vector.shape_cast %and3A_347 : vector<16xi32> to vector<16x1xi32>
      %gather3A_349 = vector.shape_cast %broadcast_in_dim3A_348 : vector<16x1xi32> to vector<16xi32>
      %gather3A_350 = tpu.dynamic_gather %add3A_340[%gather3A_349] in [0] : vector<16xf32>, vector<16xi32> -> vector<16xf32>
      %add3A_351 = arith.addf %add3A_340, %gather3A_350 : vector<16xf32>
      %iota3A_352 = tpu.iota {dimensions = array<i32: 0>} : vector<16xi32>
      %add3A_353 = arith.constant 4 : i32
      %add3A_354 = vector.broadcast %add3A_353 : i32 to vector<16xi32>
      %add3A_355 = arith.addi %iota3A_352, %add3A_354 : vector<16xi32>
      %and3A_356 = arith.constant 15 : i32
      %and3A_357 = vector.broadcast %and3A_356 : i32 to vector<16xi32>
      %and3A_358 = arith.andi %add3A_355, %and3A_357 : vector<16xi32>
      %broadcast_in_dim3A_359 = vector.shape_cast %and3A_358 : vector<16xi32> to vector<16x1xi32>
      %gather3A_360 = vector.shape_cast %broadcast_in_dim3A_359 : vector<16x1xi32> to vector<16xi32>
      %gather3A_361 = tpu.dynamic_gather %add3A_351[%gather3A_360] in [0] : vector<16xf32>, vector<16xi32> -> vector<16xf32>
      %add3A_362 = arith.addf %add3A_351, %gather3A_361 : vector<16xf32>
      %iota3A_363 = tpu.iota {dimensions = array<i32: 0>} : vector<16xi32>
      %add3A_364 = arith.constant 2 : i32
      %add3A_365 = vector.broadcast %add3A_364 : i32 to vector<16xi32>
      %add3A_366 = arith.addi %iota3A_363, %add3A_365 : vector<16xi32>
      %and3A_367 = arith.constant 15 : i32
      %and3A_368 = vector.broadcast %and3A_367 : i32 to vector<16xi32>
      %and3A_369 = arith.andi %add3A_366, %and3A_368 : vector<16xi32>
      %broadcast_in_dim3A_370 = vector.shape_cast %and3A_369 : vector<16xi32> to vector<16x1xi32>
      %gather3A_371 = vector.shape_cast %broadcast_in_dim3A_370 : vector<16x1xi32> to vector<16xi32>
      %gather3A_372 = tpu.dynamic_gather %add3A_362[%gather3A_371] in [0] : vector<16xf32>, vector<16xi32> -> vector<16xf32>
      %add3A_373 = arith.addf %add3A_362, %gather3A_372 : vector<16xf32>
      %iota3A_374 = tpu.iota {dimensions = array<i32: 0>} : vector<16xi32>
      %add3A_375 = arith.constant 1 : i32
      %add3A_376 = vector.broadcast %add3A_375 : i32 to vector<16xi32>
      %add3A_377 = arith.addi %iota3A_374, %add3A_376 : vector<16xi32>
      %and3A_378 = arith.constant 15 : i32
      %and3A_379 = vector.broadcast %and3A_378 : i32 to vector<16xi32>
      %and3A_380 = arith.andi %add3A_377, %and3A_379 : vector<16xi32>
      %broadcast_in_dim3A_381 = vector.shape_cast %and3A_380 : vector<16xi32> to vector<16x1xi32>
      %gather3A_382 = vector.shape_cast %broadcast_in_dim3A_381 : vector<16x1xi32> to vector<16xi32>
      %gather3A_383 = tpu.dynamic_gather %add3A_373[%gather3A_382] in [0] : vector<16xf32>, vector<16xi32> -> vector<16xf32>
      %add3A_384 = arith.addf %add3A_373, %gather3A_383 : vector<16xf32>
      %broadcast_in_dim3A_385 = arith.constant 6.000000e+00 : f32
      %broadcast_in_dim3A_386 = vector.broadcast %broadcast_in_dim3A_385 : f32 to vector<16xf32>
      %sub3A_387 = arith.subf %broadcast_in_dim3A_386, %add3A_223 : vector<16xf32>
      %jit3A_388 = arith.constant 0.000000e+00 : f32
      %max3A_389 = vector.broadcast %jit3A_388 : f32 to vector<16xf32>
      %max3A_390 = arith.maximumf %max3A_389, %sub3A_387 : vector<16xf32>
      %min3A_391 = arith.minimumf %add3A_384, %max3A_390 : vector<16xf32>
      %max3A_392 = arith.constant 9.99999996E-13 : f32
      %max3A_393 = vector.broadcast %max3A_392 : f32 to vector<16xf32>
      %max3A_394 = arith.maximumf %min3A_296, %max3A_393 : vector<16xf32>
      %bitcast_convert_type3A_395 = tpu.bitcast %max3A_394 : vector<16xf32> -> vector<16xi32>
      %shift_right_logical3A_396 = arith.constant 1 : i32
      %shift_right_logical3A_397 = vector.broadcast %shift_right_logical3A_396 : i32 to vector<16xi32>
      %shift_right_logical3A_398 = arith.shrui %bitcast_convert_type3A_395, %shift_right_logical3A_397 : vector<16xi32>
      %add3A_399 = arith.constant 532487669 : i32
      %add3A_400 = vector.broadcast %add3A_399 : i32 to vector<16xi32>
      %add3A_401 = arith.addi %add3A_400, %shift_right_logical3A_398 : vector<16xi32>
      %bitcast_convert_type3A_402 = tpu.bitcast %add3A_401 : vector<16xi32> -> vector<16xf32>
      %div3A_403 = arith.divf %max3A_394, %bitcast_convert_type3A_402 : vector<16xf32>
      %add3A_404 = arith.addf %bitcast_convert_type3A_402, %div3A_403 : vector<16xf32>
      %mul3A_405 = arith.constant 5.000000e-01 : f32
      %mul3A_406 = vector.broadcast %mul3A_405 : f32 to vector<16xf32>
      %mul3A_407 = arith.mulf %mul3A_406, %add3A_404 : vector<16xf32>
      %div3A_408 = arith.divf %max3A_394, %mul3A_407 : vector<16xf32>
      %add3A_409 = arith.addf %mul3A_407, %div3A_408 : vector<16xf32>
      %mul3A_410 = arith.constant 5.000000e-01 : f32
      %mul3A_411 = vector.broadcast %mul3A_410 : f32 to vector<16xf32>
      %mul3A_412 = arith.mulf %mul3A_411, %add3A_409 : vector<16xf32>
      %div3A_413 = arith.divf %max3A_394, %mul3A_412 : vector<16xf32>
      %add3A_414 = arith.addf %mul3A_412, %div3A_413 : vector<16xf32>
      %mul3A_415 = arith.constant 5.000000e-01 : f32
      %mul3A_416 = vector.broadcast %mul3A_415 : f32 to vector<16xf32>
      %mul3A_417 = arith.mulf %mul3A_416, %add3A_414 : vector<16xf32>
      %gt3A_418 = arith.constant 0.000000e+00 : f32
      %gt3A_419 = vector.broadcast %gt3A_418 : f32 to vector<16xf32>
      %gt3A_420 = arith.cmpf ogt, %min3A_391, %gt3A_419 : vector<16xf32>
      %mul3A_421 = arith.mulf %min3A_391, %mul3A_417 : vector<16xf32>
      %jit3A_422 = arith.constant 0.000000e+00 : f32
      %broadcast_in_dim3A_423 = vector.broadcast %jit3A_422 : f32 to vector<16xf32>
      %select_n3A_424 = arith.select %gt3A_420, %mul3A_421, %broadcast_in_dim3A_423 : vector<16xi1>, vector<16xf32>
      %add3A_425 = arith.addf %add3A_200, %select_n3A_424 : vector<16xf32>
      %lt3A_426 = arith.constant 6.000000e+00 : f32
      %lt3A_427 = vector.broadcast %lt3A_426 : f32 to vector<16xf32>
      %lt3A_428 = arith.cmpf olt, %add3A_223, %lt3A_427 : vector<16xf32>
      %jit3A_429 = arith.constant 1.000000e+00 : f32
      %jit3A_430 = arith.constant 0.000000e+00 : f32
      %broadcast_in_dim3A_431 = vector.broadcast %jit3A_429 : f32 to vector<16xf32>
      %broadcast_in_dim3A_432 = vector.broadcast %jit3A_430 : f32 to vector<16xf32>
      %select_n3A_433 = arith.select %lt3A_428, %broadcast_in_dim3A_431, %broadcast_in_dim3A_432 : vector<16xi1>, vector<16xf32>
      %add3A_434 = arith.addf %add3A_223, %add3A_384 : vector<16xf32>
      %ge3A_435 = arith.constant 6.000000e+00 : f32
      %ge3A_436 = vector.broadcast %ge3A_435 : f32 to vector<16xf32>
      %ge3A_437 = arith.cmpf oge, %add3A_434, %ge3A_436 : vector<16xf32>
      %jit3A_438 = arith.constant 1.000000e+00 : f32
      %jit3A_439 = arith.constant 0.000000e+00 : f32
      %broadcast_in_dim3A_440 = vector.broadcast %jit3A_438 : f32 to vector<16xf32>
      %broadcast_in_dim3A_441 = vector.broadcast %jit3A_439 : f32 to vector<16xf32>
      %select_n3A_442 = arith.select %ge3A_437, %broadcast_in_dim3A_440, %broadcast_in_dim3A_441 : vector<16xi1>, vector<16xf32>
      %mul3A_443 = arith.mulf %select_n3A_433, %select_n3A_442 : vector<16xf32>
      %sub3A_444 = arith.subf %min3A_296, %add3A_219 : vector<16xf32>
      %mul3A_445 = arith.mulf %mul3A_443, %sub3A_444 : vector<16xf32>
      %add3A_446 = arith.addf %add3A_219, %mul3A_445 : vector<16xf32>
      %sub3A_447 = arith.subf %add3A_223, %add3A_222 : vector<16xf32>
      %mul3A_448 = arith.mulf %mul3A_443, %sub3A_447 : vector<16xf32>
      %add3A_449 = arith.addf %add3A_222, %mul3A_448 : vector<16xf32>
      %add3A_450 = arith.addf %add3A_223, %add3A_384 : vector<16xf32>
      %eq3A_451 = arith.cmpf oeq, %select_n3A_227, %min3A_296 : vector<16xf32>
      %jit3A_452 = arith.constant 0x7F800000 : f32
      %broadcast_in_dim3A_453 = vector.broadcast %jit3A_452 : f32 to vector<16xf32>
      %select_n3A_454 = arith.select %eq3A_451, %broadcast_in_dim3A_453, %select_n3A_227 : vector<16xi1>, vector<16xf32>
      %eq3A_455 = arith.cmpf oeq, %select_n3A_231, %min3A_296 : vector<16xf32>
      %jit3A_456 = arith.constant 0x7F800000 : f32
      %broadcast_in_dim3A_457 = vector.broadcast %jit3A_456 : f32 to vector<16xf32>
      %select_n3A_458 = arith.select %eq3A_455, %broadcast_in_dim3A_457, %select_n3A_231 : vector<16xi1>, vector<16xf32>
      %eq3A_459 = arith.cmpf oeq, %select_n3A_235, %min3A_296 : vector<16xf32>
      %jit3A_460 = arith.constant 0x7F800000 : f32
      %broadcast_in_dim3A_461 = vector.broadcast %jit3A_460 : f32 to vector<16xf32>
      %select_n3A_462 = arith.select %eq3A_459, %broadcast_in_dim3A_461, %select_n3A_235 : vector<16xi1>, vector<16xf32>
      %eq3A_463 = arith.cmpf oeq, %select_n3A_239, %min3A_296 : vector<16xf32>
      %jit3A_464 = arith.constant 0x7F800000 : f32
      %broadcast_in_dim3A_465 = vector.broadcast %jit3A_464 : f32 to vector<16xf32>
      %select_n3A_466 = arith.select %eq3A_463, %broadcast_in_dim3A_465, %select_n3A_239 : vector<16xi1>, vector<16xf32>
      %eq3A_467 = arith.cmpf oeq, %select_n3A_243, %min3A_296 : vector<16xf32>
      %jit3A_468 = arith.constant 0x7F800000 : f32
      %broadcast_in_dim3A_469 = vector.broadcast %jit3A_468 : f32 to vector<16xf32>
      %select_n3A_470 = arith.select %eq3A_467, %broadcast_in_dim3A_469, %select_n3A_243 : vector<16xi1>, vector<16xf32>
      %eq3A_471 = arith.cmpf oeq, %select_n3A_247, %min3A_296 : vector<16xf32>
      %jit3A_472 = arith.constant 0x7F800000 : f32
      %broadcast_in_dim3A_473 = vector.broadcast %jit3A_472 : f32 to vector<16xf32>
      %select_n3A_474 = arith.select %eq3A_471, %broadcast_in_dim3A_473, %select_n3A_247 : vector<16xi1>, vector<16xf32>
      %min3A_475 = arith.minimumf %select_n3A_454, %select_n3A_458 : vector<16xf32>
      %min3A_476 = arith.minimumf %min3A_475, %select_n3A_462 : vector<16xf32>
      %min3A_477 = arith.minimumf %min3A_476, %select_n3A_466 : vector<16xf32>
      %min3A_478 = arith.minimumf %min3A_477, %select_n3A_470 : vector<16xf32>
      %min3A_479 = arith.minimumf %min3A_478, %select_n3A_474 : vector<16xf32>
      %iota3A_480 = tpu.iota {dimensions = array<i32: 0>} : vector<16xi32>
      %add3A_481 = arith.constant 8 : i32
      %add3A_482 = vector.broadcast %add3A_481 : i32 to vector<16xi32>
      %add3A_483 = arith.addi %iota3A_480, %add3A_482 : vector<16xi32>
      %and3A_484 = arith.constant 15 : i32
      %and3A_485 = vector.broadcast %and3A_484 : i32 to vector<16xi32>
      %and3A_486 = arith.andi %add3A_483, %and3A_485 : vector<16xi32>
      %broadcast_in_dim3A_487 = vector.shape_cast %and3A_486 : vector<16xi32> to vector<16x1xi32>
      %gather3A_488 = vector.shape_cast %broadcast_in_dim3A_487 : vector<16x1xi32> to vector<16xi32>
      %gather3A_489 = tpu.dynamic_gather %min3A_479[%gather3A_488] in [0] : vector<16xf32>, vector<16xi32> -> vector<16xf32>
      %min3A_490 = arith.minimumf %min3A_479, %gather3A_489 : vector<16xf32>
      %iota3A_491 = tpu.iota {dimensions = array<i32: 0>} : vector<16xi32>
      %add3A_492 = arith.constant 4 : i32
      %add3A_493 = vector.broadcast %add3A_492 : i32 to vector<16xi32>
      %add3A_494 = arith.addi %iota3A_491, %add3A_493 : vector<16xi32>
      %and3A_495 = arith.constant 15 : i32
      %and3A_496 = vector.broadcast %and3A_495 : i32 to vector<16xi32>
      %and3A_497 = arith.andi %add3A_494, %and3A_496 : vector<16xi32>
      %broadcast_in_dim3A_498 = vector.shape_cast %and3A_497 : vector<16xi32> to vector<16x1xi32>
      %gather3A_499 = vector.shape_cast %broadcast_in_dim3A_498 : vector<16x1xi32> to vector<16xi32>
      %gather3A_500 = tpu.dynamic_gather %min3A_490[%gather3A_499] in [0] : vector<16xf32>, vector<16xi32> -> vector<16xf32>
      %min3A_501 = arith.minimumf %min3A_490, %gather3A_500 : vector<16xf32>
      %iota3A_502 = tpu.iota {dimensions = array<i32: 0>} : vector<16xi32>
      %add3A_503 = arith.constant 2 : i32
      %add3A_504 = vector.broadcast %add3A_503 : i32 to vector<16xi32>
      %add3A_505 = arith.addi %iota3A_502, %add3A_504 : vector<16xi32>
      %and3A_506 = arith.constant 15 : i32
      %and3A_507 = vector.broadcast %and3A_506 : i32 to vector<16xi32>
      %and3A_508 = arith.andi %add3A_505, %and3A_507 : vector<16xi32>
      %broadcast_in_dim3A_509 = vector.shape_cast %and3A_508 : vector<16xi32> to vector<16x1xi32>
      %gather3A_510 = vector.shape_cast %broadcast_in_dim3A_509 : vector<16x1xi32> to vector<16xi32>
      %gather3A_511 = tpu.dynamic_gather %min3A_501[%gather3A_510] in [0] : vector<16xf32>, vector<16xi32> -> vector<16xf32>
      %min3A_512 = arith.minimumf %min3A_501, %gather3A_511 : vector<16xf32>
      %iota3A_513 = tpu.iota {dimensions = array<i32: 0>} : vector<16xi32>
      %add3A_514 = arith.constant 1 : i32
      %add3A_515 = vector.broadcast %add3A_514 : i32 to vector<16xi32>
      %add3A_516 = arith.addi %iota3A_513, %add3A_515 : vector<16xi32>
      %and3A_517 = arith.constant 15 : i32
      %and3A_518 = vector.broadcast %and3A_517 : i32 to vector<16xi32>
      %and3A_519 = arith.andi %add3A_516, %and3A_518 : vector<16xi32>
      %broadcast_in_dim3A_520 = vector.shape_cast %and3A_519 : vector<16xi32> to vector<16x1xi32>
      %gather3A_521 = vector.shape_cast %broadcast_in_dim3A_520 : vector<16x1xi32> to vector<16xi32>
      %gather3A_522 = tpu.dynamic_gather %min3A_512[%gather3A_521] in [0] : vector<16xf32>, vector<16xi32> -> vector<16xf32>
      %min3A_523 = arith.minimumf %min3A_512, %gather3A_522 : vector<16xf32>
      %broadcast_in_dim3A_524 = arith.constant 0.000000e+00 : f32
      %broadcast_in_dim3A_525 = vector.broadcast %broadcast_in_dim3A_524 : f32 to vector<16xf32>
      %eq3A_526 = arith.cmpf oeq, %select_n3A_454, %min3A_523 : vector<16xf32>
      %jit3A_527 = arith.constant 1.000000e+00 : f32
      %jit3A_528 = arith.constant 0.000000e+00 : f32
      %broadcast_in_dim3A_529 = vector.broadcast %jit3A_527 : f32 to vector<16xf32>
      %broadcast_in_dim3A_530 = vector.broadcast %jit3A_528 : f32 to vector<16xf32>
      %select_n3A_531 = arith.select %eq3A_526, %broadcast_in_dim3A_529, %broadcast_in_dim3A_530 : vector<16xi1>, vector<16xf32>
      %add3A_532 = arith.addf %broadcast_in_dim3A_525, %select_n3A_531 : vector<16xf32>
      %eq3A_533 = arith.cmpf oeq, %select_n3A_458, %min3A_523 : vector<16xf32>
      %jit3A_534 = arith.constant 1.000000e+00 : f32
      %jit3A_535 = arith.constant 0.000000e+00 : f32
      %broadcast_in_dim3A_536 = vector.broadcast %jit3A_534 : f32 to vector<16xf32>
      %broadcast_in_dim3A_537 = vector.broadcast %jit3A_535 : f32 to vector<16xf32>
      %select_n3A_538 = arith.select %eq3A_533, %broadcast_in_dim3A_536, %broadcast_in_dim3A_537 : vector<16xi1>, vector<16xf32>
      %add3A_539 = arith.addf %add3A_532, %select_n3A_538 : vector<16xf32>
      %eq3A_540 = arith.cmpf oeq, %select_n3A_462, %min3A_523 : vector<16xf32>
      %jit3A_541 = arith.constant 1.000000e+00 : f32
      %jit3A_542 = arith.constant 0.000000e+00 : f32
      %broadcast_in_dim3A_543 = vector.broadcast %jit3A_541 : f32 to vector<16xf32>
      %broadcast_in_dim3A_544 = vector.broadcast %jit3A_542 : f32 to vector<16xf32>
      %select_n3A_545 = arith.select %eq3A_540, %broadcast_in_dim3A_543, %broadcast_in_dim3A_544 : vector<16xi1>, vector<16xf32>
      %add3A_546 = arith.addf %add3A_539, %select_n3A_545 : vector<16xf32>
      %eq3A_547 = arith.cmpf oeq, %select_n3A_466, %min3A_523 : vector<16xf32>
      %jit3A_548 = arith.constant 1.000000e+00 : f32
      %jit3A_549 = arith.constant 0.000000e+00 : f32
      %broadcast_in_dim3A_550 = vector.broadcast %jit3A_548 : f32 to vector<16xf32>
      %broadcast_in_dim3A_551 = vector.broadcast %jit3A_549 : f32 to vector<16xf32>
      %select_n3A_552 = arith.select %eq3A_547, %broadcast_in_dim3A_550, %broadcast_in_dim3A_551 : vector<16xi1>, vector<16xf32>
      %add3A_553 = arith.addf %add3A_546, %select_n3A_552 : vector<16xf32>
      %eq3A_554 = arith.cmpf oeq, %select_n3A_470, %min3A_523 : vector<16xf32>
      %jit3A_555 = arith.constant 1.000000e+00 : f32
      %jit3A_556 = arith.constant 0.000000e+00 : f32
      %broadcast_in_dim3A_557 = vector.broadcast %jit3A_555 : f32 to vector<16xf32>
      %broadcast_in_dim3A_558 = vector.broadcast %jit3A_556 : f32 to vector<16xf32>
      %select_n3A_559 = arith.select %eq3A_554, %broadcast_in_dim3A_557, %broadcast_in_dim3A_558 : vector<16xi1>, vector<16xf32>
      %add3A_560 = arith.addf %add3A_553, %select_n3A_559 : vector<16xf32>
      %eq3A_561 = arith.cmpf oeq, %select_n3A_474, %min3A_523 : vector<16xf32>
      %jit3A_562 = arith.constant 1.000000e+00 : f32
      %jit3A_563 = arith.constant 0.000000e+00 : f32
      %broadcast_in_dim3A_564 = vector.broadcast %jit3A_562 : f32 to vector<16xf32>
      %broadcast_in_dim3A_565 = vector.broadcast %jit3A_563 : f32 to vector<16xf32>
      %select_n3A_566 = arith.select %eq3A_561, %broadcast_in_dim3A_564, %broadcast_in_dim3A_565 : vector<16xi1>, vector<16xf32>
      %add3A_567 = arith.addf %add3A_560, %select_n3A_566 : vector<16xf32>
      %iota3A_568 = tpu.iota {dimensions = array<i32: 0>} : vector<16xi32>
      %add3A_569 = arith.constant 8 : i32
      %add3A_570 = vector.broadcast %add3A_569 : i32 to vector<16xi32>
      %add3A_571 = arith.addi %iota3A_568, %add3A_570 : vector<16xi32>
      %and3A_572 = arith.constant 15 : i32
      %and3A_573 = vector.broadcast %and3A_572 : i32 to vector<16xi32>
      %and3A_574 = arith.andi %add3A_571, %and3A_573 : vector<16xi32>
      %broadcast_in_dim3A_575 = vector.shape_cast %and3A_574 : vector<16xi32> to vector<16x1xi32>
      %gather3A_576 = vector.shape_cast %broadcast_in_dim3A_575 : vector<16x1xi32> to vector<16xi32>
      %gather3A_577 = tpu.dynamic_gather %add3A_567[%gather3A_576] in [0] : vector<16xf32>, vector<16xi32> -> vector<16xf32>
      %add3A_578 = arith.addf %add3A_567, %gather3A_577 : vector<16xf32>
      %iota3A_579 = tpu.iota {dimensions = array<i32: 0>} : vector<16xi32>
      %add3A_580 = arith.constant 4 : i32
      %add3A_581 = vector.broadcast %add3A_580 : i32 to vector<16xi32>
      %add3A_582 = arith.addi %iota3A_579, %add3A_581 : vector<16xi32>
      %and3A_583 = arith.constant 15 : i32
      %and3A_584 = vector.broadcast %and3A_583 : i32 to vector<16xi32>
      %and3A_585 = arith.andi %add3A_582, %and3A_584 : vector<16xi32>
      %broadcast_in_dim3A_586 = vector.shape_cast %and3A_585 : vector<16xi32> to vector<16x1xi32>
      %gather3A_587 = vector.shape_cast %broadcast_in_dim3A_586 : vector<16x1xi32> to vector<16xi32>
      %gather3A_588 = tpu.dynamic_gather %add3A_578[%gather3A_587] in [0] : vector<16xf32>, vector<16xi32> -> vector<16xf32>
      %add3A_589 = arith.addf %add3A_578, %gather3A_588 : vector<16xf32>
      %iota3A_590 = tpu.iota {dimensions = array<i32: 0>} : vector<16xi32>
      %add3A_591 = arith.constant 2 : i32
      %add3A_592 = vector.broadcast %add3A_591 : i32 to vector<16xi32>
      %add3A_593 = arith.addi %iota3A_590, %add3A_592 : vector<16xi32>
      %and3A_594 = arith.constant 15 : i32
      %and3A_595 = vector.broadcast %and3A_594 : i32 to vector<16xi32>
      %and3A_596 = arith.andi %add3A_593, %and3A_595 : vector<16xi32>
      %broadcast_in_dim3A_597 = vector.shape_cast %and3A_596 : vector<16xi32> to vector<16x1xi32>
      %gather3A_598 = vector.shape_cast %broadcast_in_dim3A_597 : vector<16x1xi32> to vector<16xi32>
      %gather3A_599 = tpu.dynamic_gather %add3A_589[%gather3A_598] in [0] : vector<16xf32>, vector<16xi32> -> vector<16xf32>
      %add3A_600 = arith.addf %add3A_589, %gather3A_599 : vector<16xf32>
      %iota3A_601 = tpu.iota {dimensions = array<i32: 0>} : vector<16xi32>
      %add3A_602 = arith.constant 1 : i32
      %add3A_603 = vector.broadcast %add3A_602 : i32 to vector<16xi32>
      %add3A_604 = arith.addi %iota3A_601, %add3A_603 : vector<16xi32>
      %and3A_605 = arith.constant 15 : i32
      %and3A_606 = vector.broadcast %and3A_605 : i32 to vector<16xi32>
      %and3A_607 = arith.andi %add3A_604, %and3A_606 : vector<16xi32>
      %broadcast_in_dim3A_608 = vector.shape_cast %and3A_607 : vector<16xi32> to vector<16x1xi32>
      %gather3A_609 = vector.shape_cast %broadcast_in_dim3A_608 : vector<16x1xi32> to vector<16xi32>
      %gather3A_610 = tpu.dynamic_gather %add3A_600[%gather3A_609] in [0] : vector<16xf32>, vector<16xi32> -> vector<16xf32>
      %add3A_611 = arith.addf %add3A_600, %gather3A_610 : vector<16xf32>
      %broadcast_in_dim3A_612 = arith.constant 6.000000e+00 : f32
      %broadcast_in_dim3A_613 = vector.broadcast %broadcast_in_dim3A_612 : f32 to vector<16xf32>
      %sub3A_614 = arith.subf %broadcast_in_dim3A_613, %add3A_450 : vector<16xf32>
      %jit3A_615 = arith.constant 0.000000e+00 : f32
      %max3A_616 = vector.broadcast %jit3A_615 : f32 to vector<16xf32>
      %max3A_617 = arith.maximumf %max3A_616, %sub3A_614 : vector<16xf32>
      %min3A_618 = arith.minimumf %add3A_611, %max3A_617 : vector<16xf32>
      %max3A_619 = arith.constant 9.99999996E-13 : f32
      %max3A_620 = vector.broadcast %max3A_619 : f32 to vector<16xf32>
      %max3A_621 = arith.maximumf %min3A_523, %max3A_620 : vector<16xf32>
      %bitcast_convert_type3A_622 = tpu.bitcast %max3A_621 : vector<16xf32> -> vector<16xi32>
      %shift_right_logical3A_623 = arith.constant 1 : i32
      %shift_right_logical3A_624 = vector.broadcast %shift_right_logical3A_623 : i32 to vector<16xi32>
      %shift_right_logical3A_625 = arith.shrui %bitcast_convert_type3A_622, %shift_right_logical3A_624 : vector<16xi32>
      %add3A_626 = arith.constant 532487669 : i32
      %add3A_627 = vector.broadcast %add3A_626 : i32 to vector<16xi32>
      %add3A_628 = arith.addi %add3A_627, %shift_right_logical3A_625 : vector<16xi32>
      %bitcast_convert_type3A_629 = tpu.bitcast %add3A_628 : vector<16xi32> -> vector<16xf32>
      %div3A_630 = arith.divf %max3A_621, %bitcast_convert_type3A_629 : vector<16xf32>
      %add3A_631 = arith.addf %bitcast_convert_type3A_629, %div3A_630 : vector<16xf32>
      %mul3A_632 = arith.constant 5.000000e-01 : f32
      %mul3A_633 = vector.broadcast %mul3A_632 : f32 to vector<16xf32>
      %mul3A_634 = arith.mulf %mul3A_633, %add3A_631 : vector<16xf32>
      %div3A_635 = arith.divf %max3A_621, %mul3A_634 : vector<16xf32>
      %add3A_636 = arith.addf %mul3A_634, %div3A_635 : vector<16xf32>
      %mul3A_637 = arith.constant 5.000000e-01 : f32
      %mul3A_638 = vector.broadcast %mul3A_637 : f32 to vector<16xf32>
      %mul3A_639 = arith.mulf %mul3A_638, %add3A_636 : vector<16xf32>
      %div3A_640 = arith.divf %max3A_621, %mul3A_639 : vector<16xf32>
      %add3A_641 = arith.addf %mul3A_639, %div3A_640 : vector<16xf32>
      %mul3A_642 = arith.constant 5.000000e-01 : f32
      %mul3A_643 = vector.broadcast %mul3A_642 : f32 to vector<16xf32>
      %mul3A_644 = arith.mulf %mul3A_643, %add3A_641 : vector<16xf32>
      %gt3A_645 = arith.constant 0.000000e+00 : f32
      %gt3A_646 = vector.broadcast %gt3A_645 : f32 to vector<16xf32>
      %gt3A_647 = arith.cmpf ogt, %min3A_618, %gt3A_646 : vector<16xf32>
      %mul3A_648 = arith.mulf %min3A_618, %mul3A_644 : vector<16xf32>
      %jit3A_649 = arith.constant 0.000000e+00 : f32
      %broadcast_in_dim3A_650 = vector.broadcast %jit3A_649 : f32 to vector<16xf32>
      %select_n3A_651 = arith.select %gt3A_647, %mul3A_648, %broadcast_in_dim3A_650 : vector<16xi1>, vector<16xf32>
      %add3A_652 = arith.addf %add3A_425, %select_n3A_651 : vector<16xf32>
      %lt3A_653 = arith.constant 6.000000e+00 : f32
      %lt3A_654 = vector.broadcast %lt3A_653 : f32 to vector<16xf32>
      %lt3A_655 = arith.cmpf olt, %add3A_450, %lt3A_654 : vector<16xf32>
      %jit3A_656 = arith.constant 1.000000e+00 : f32
      %jit3A_657 = arith.constant 0.000000e+00 : f32
      %broadcast_in_dim3A_658 = vector.broadcast %jit3A_656 : f32 to vector<16xf32>
      %broadcast_in_dim3A_659 = vector.broadcast %jit3A_657 : f32 to vector<16xf32>
      %select_n3A_660 = arith.select %lt3A_655, %broadcast_in_dim3A_658, %broadcast_in_dim3A_659 : vector<16xi1>, vector<16xf32>
      %add3A_661 = arith.addf %add3A_450, %add3A_611 : vector<16xf32>
      %ge3A_662 = arith.constant 6.000000e+00 : f32
      %ge3A_663 = vector.broadcast %ge3A_662 : f32 to vector<16xf32>
      %ge3A_664 = arith.cmpf oge, %add3A_661, %ge3A_663 : vector<16xf32>
      %jit3A_665 = arith.constant 1.000000e+00 : f32
      %jit3A_666 = arith.constant 0.000000e+00 : f32
      %broadcast_in_dim3A_667 = vector.broadcast %jit3A_665 : f32 to vector<16xf32>
      %broadcast_in_dim3A_668 = vector.broadcast %jit3A_666 : f32 to vector<16xf32>
      %select_n3A_669 = arith.select %ge3A_664, %broadcast_in_dim3A_667, %broadcast_in_dim3A_668 : vector<16xi1>, vector<16xf32>
      %mul3A_670 = arith.mulf %select_n3A_660, %select_n3A_669 : vector<16xf32>
      %sub3A_671 = arith.subf %min3A_523, %add3A_446 : vector<16xf32>
      %mul3A_672 = arith.mulf %mul3A_670, %sub3A_671 : vector<16xf32>
      %add3A_673 = arith.addf %add3A_446, %mul3A_672 : vector<16xf32>
      %sub3A_674 = arith.subf %add3A_450, %add3A_449 : vector<16xf32>
      %mul3A_675 = arith.mulf %mul3A_670, %sub3A_674 : vector<16xf32>
      %add3A_676 = arith.addf %add3A_449, %mul3A_675 : vector<16xf32>
      %add3A_677 = arith.addf %add3A_450, %add3A_611 : vector<16xf32>
      %eq3A_678 = arith.cmpf oeq, %select_n3A_454, %min3A_523 : vector<16xf32>
      %jit3A_679 = arith.constant 0x7F800000 : f32
      %broadcast_in_dim3A_680 = vector.broadcast %jit3A_679 : f32 to vector<16xf32>
      %select_n3A_681 = arith.select %eq3A_678, %broadcast_in_dim3A_680, %select_n3A_454 : vector<16xi1>, vector<16xf32>
      %eq3A_682 = arith.cmpf oeq, %select_n3A_458, %min3A_523 : vector<16xf32>
      %jit3A_683 = arith.constant 0x7F800000 : f32
      %broadcast_in_dim3A_684 = vector.broadcast %jit3A_683 : f32 to vector<16xf32>
      %select_n3A_685 = arith.select %eq3A_682, %broadcast_in_dim3A_684, %select_n3A_458 : vector<16xi1>, vector<16xf32>
      %eq3A_686 = arith.cmpf oeq, %select_n3A_462, %min3A_523 : vector<16xf32>
      %jit3A_687 = arith.constant 0x7F800000 : f32
      %broadcast_in_dim3A_688 = vector.broadcast %jit3A_687 : f32 to vector<16xf32>
      %select_n3A_689 = arith.select %eq3A_686, %broadcast_in_dim3A_688, %select_n3A_462 : vector<16xi1>, vector<16xf32>
      %eq3A_690 = arith.cmpf oeq, %select_n3A_466, %min3A_523 : vector<16xf32>
      %jit3A_691 = arith.constant 0x7F800000 : f32
      %broadcast_in_dim3A_692 = vector.broadcast %jit3A_691 : f32 to vector<16xf32>
      %select_n3A_693 = arith.select %eq3A_690, %broadcast_in_dim3A_692, %select_n3A_466 : vector<16xi1>, vector<16xf32>
      %eq3A_694 = arith.cmpf oeq, %select_n3A_470, %min3A_523 : vector<16xf32>
      %jit3A_695 = arith.constant 0x7F800000 : f32
      %broadcast_in_dim3A_696 = vector.broadcast %jit3A_695 : f32 to vector<16xf32>
      %select_n3A_697 = arith.select %eq3A_694, %broadcast_in_dim3A_696, %select_n3A_470 : vector<16xi1>, vector<16xf32>
      %eq3A_698 = arith.cmpf oeq, %select_n3A_474, %min3A_523 : vector<16xf32>
      %jit3A_699 = arith.constant 0x7F800000 : f32
      %broadcast_in_dim3A_700 = vector.broadcast %jit3A_699 : f32 to vector<16xf32>
      %select_n3A_701 = arith.select %eq3A_698, %broadcast_in_dim3A_700, %select_n3A_474 : vector<16xi1>, vector<16xf32>
      %min3A_702 = arith.minimumf %select_n3A_681, %select_n3A_685 : vector<16xf32>
      %min3A_703 = arith.minimumf %min3A_702, %select_n3A_689 : vector<16xf32>
      %min3A_704 = arith.minimumf %min3A_703, %select_n3A_693 : vector<16xf32>
      %min3A_705 = arith.minimumf %min3A_704, %select_n3A_697 : vector<16xf32>
      %min3A_706 = arith.minimumf %min3A_705, %select_n3A_701 : vector<16xf32>
      %iota3A_707 = tpu.iota {dimensions = array<i32: 0>} : vector<16xi32>
      %add3A_708 = arith.constant 8 : i32
      %add3A_709 = vector.broadcast %add3A_708 : i32 to vector<16xi32>
      %add3A_710 = arith.addi %iota3A_707, %add3A_709 : vector<16xi32>
      %and3A_711 = arith.constant 15 : i32
      %and3A_712 = vector.broadcast %and3A_711 : i32 to vector<16xi32>
      %and3A_713 = arith.andi %add3A_710, %and3A_712 : vector<16xi32>
      %broadcast_in_dim3A_714 = vector.shape_cast %and3A_713 : vector<16xi32> to vector<16x1xi32>
      %gather3A_715 = vector.shape_cast %broadcast_in_dim3A_714 : vector<16x1xi32> to vector<16xi32>
      %gather3A_716 = tpu.dynamic_gather %min3A_706[%gather3A_715] in [0] : vector<16xf32>, vector<16xi32> -> vector<16xf32>
      %min3A_717 = arith.minimumf %min3A_706, %gather3A_716 : vector<16xf32>
      %iota3A_718 = tpu.iota {dimensions = array<i32: 0>} : vector<16xi32>
      %add3A_719 = arith.constant 4 : i32
      %add3A_720 = vector.broadcast %add3A_719 : i32 to vector<16xi32>
      %add3A_721 = arith.addi %iota3A_718, %add3A_720 : vector<16xi32>
      %and3A_722 = arith.constant 15 : i32
      %and3A_723 = vector.broadcast %and3A_722 : i32 to vector<16xi32>
      %and3A_724 = arith.andi %add3A_721, %and3A_723 : vector<16xi32>
      %broadcast_in_dim3A_725 = vector.shape_cast %and3A_724 : vector<16xi32> to vector<16x1xi32>
      %gather3A_726 = vector.shape_cast %broadcast_in_dim3A_725 : vector<16x1xi32> to vector<16xi32>
      %gather3A_727 = tpu.dynamic_gather %min3A_717[%gather3A_726] in [0] : vector<16xf32>, vector<16xi32> -> vector<16xf32>
      %min3A_728 = arith.minimumf %min3A_717, %gather3A_727 : vector<16xf32>
      %iota3A_729 = tpu.iota {dimensions = array<i32: 0>} : vector<16xi32>
      %add3A_730 = arith.constant 2 : i32
      %add3A_731 = vector.broadcast %add3A_730 : i32 to vector<16xi32>
      %add3A_732 = arith.addi %iota3A_729, %add3A_731 : vector<16xi32>
      %and3A_733 = arith.constant 15 : i32
      %and3A_734 = vector.broadcast %and3A_733 : i32 to vector<16xi32>
      %and3A_735 = arith.andi %add3A_732, %and3A_734 : vector<16xi32>
      %broadcast_in_dim3A_736 = vector.shape_cast %and3A_735 : vector<16xi32> to vector<16x1xi32>
      %gather3A_737 = vector.shape_cast %broadcast_in_dim3A_736 : vector<16x1xi32> to vector<16xi32>
      %gather3A_738 = tpu.dynamic_gather %min3A_728[%gather3A_737] in [0] : vector<16xf32>, vector<16xi32> -> vector<16xf32>
      %min3A_739 = arith.minimumf %min3A_728, %gather3A_738 : vector<16xf32>
      %iota3A_740 = tpu.iota {dimensions = array<i32: 0>} : vector<16xi32>
      %add3A_741 = arith.constant 1 : i32
      %add3A_742 = vector.broadcast %add3A_741 : i32 to vector<16xi32>
      %add3A_743 = arith.addi %iota3A_740, %add3A_742 : vector<16xi32>
      %and3A_744 = arith.constant 15 : i32
      %and3A_745 = vector.broadcast %and3A_744 : i32 to vector<16xi32>
      %and3A_746 = arith.andi %add3A_743, %and3A_745 : vector<16xi32>
      %broadcast_in_dim3A_747 = vector.shape_cast %and3A_746 : vector<16xi32> to vector<16x1xi32>
      %gather3A_748 = vector.shape_cast %broadcast_in_dim3A_747 : vector<16x1xi32> to vector<16xi32>
      %gather3A_749 = tpu.dynamic_gather %min3A_739[%gather3A_748] in [0] : vector<16xf32>, vector<16xi32> -> vector<16xf32>
      %min3A_750 = arith.minimumf %min3A_739, %gather3A_749 : vector<16xf32>
      %broadcast_in_dim3A_751 = arith.constant 0.000000e+00 : f32
      %broadcast_in_dim3A_752 = vector.broadcast %broadcast_in_dim3A_751 : f32 to vector<16xf32>
      %eq3A_753 = arith.cmpf oeq, %select_n3A_681, %min3A_750 : vector<16xf32>
      %jit3A_754 = arith.constant 1.000000e+00 : f32
      %jit3A_755 = arith.constant 0.000000e+00 : f32
      %broadcast_in_dim3A_756 = vector.broadcast %jit3A_754 : f32 to vector<16xf32>
      %broadcast_in_dim3A_757 = vector.broadcast %jit3A_755 : f32 to vector<16xf32>
      %select_n3A_758 = arith.select %eq3A_753, %broadcast_in_dim3A_756, %broadcast_in_dim3A_757 : vector<16xi1>, vector<16xf32>
      %add3A_759 = arith.addf %broadcast_in_dim3A_752, %select_n3A_758 : vector<16xf32>
      %eq3A_760 = arith.cmpf oeq, %select_n3A_685, %min3A_750 : vector<16xf32>
      %jit3A_761 = arith.constant 1.000000e+00 : f32
      %jit3A_762 = arith.constant 0.000000e+00 : f32
      %broadcast_in_dim3A_763 = vector.broadcast %jit3A_761 : f32 to vector<16xf32>
      %broadcast_in_dim3A_764 = vector.broadcast %jit3A_762 : f32 to vector<16xf32>
      %select_n3A_765 = arith.select %eq3A_760, %broadcast_in_dim3A_763, %broadcast_in_dim3A_764 : vector<16xi1>, vector<16xf32>
      %add3A_766 = arith.addf %add3A_759, %select_n3A_765 : vector<16xf32>
      %eq3A_767 = arith.cmpf oeq, %select_n3A_689, %min3A_750 : vector<16xf32>
      %jit3A_768 = arith.constant 1.000000e+00 : f32
      %jit3A_769 = arith.constant 0.000000e+00 : f32
      %broadcast_in_dim3A_770 = vector.broadcast %jit3A_768 : f32 to vector<16xf32>
      %broadcast_in_dim3A_771 = vector.broadcast %jit3A_769 : f32 to vector<16xf32>
      %select_n3A_772 = arith.select %eq3A_767, %broadcast_in_dim3A_770, %broadcast_in_dim3A_771 : vector<16xi1>, vector<16xf32>
      %add3A_773 = arith.addf %add3A_766, %select_n3A_772 : vector<16xf32>
      %eq3A_774 = arith.cmpf oeq, %select_n3A_693, %min3A_750 : vector<16xf32>
      %jit3A_775 = arith.constant 1.000000e+00 : f32
      %jit3A_776 = arith.constant 0.000000e+00 : f32
      %broadcast_in_dim3A_777 = vector.broadcast %jit3A_775 : f32 to vector<16xf32>
      %broadcast_in_dim3A_778 = vector.broadcast %jit3A_776 : f32 to vector<16xf32>
      %select_n3A_779 = arith.select %eq3A_774, %broadcast_in_dim3A_777, %broadcast_in_dim3A_778 : vector<16xi1>, vector<16xf32>
      %add3A_780 = arith.addf %add3A_773, %select_n3A_779 : vector<16xf32>
      %eq3A_781 = arith.cmpf oeq, %select_n3A_697, %min3A_750 : vector<16xf32>
      %jit3A_782 = arith.constant 1.000000e+00 : f32
      %jit3A_783 = arith.constant 0.000000e+00 : f32
      %broadcast_in_dim3A_784 = vector.broadcast %jit3A_782 : f32 to vector<16xf32>
      %broadcast_in_dim3A_785 = vector.broadcast %jit3A_783 : f32 to vector<16xf32>
      %select_n3A_786 = arith.select %eq3A_781, %broadcast_in_dim3A_784, %broadcast_in_dim3A_785 : vector<16xi1>, vector<16xf32>
      %add3A_787 = arith.addf %add3A_780, %select_n3A_786 : vector<16xf32>
      %eq3A_788 = arith.cmpf oeq, %select_n3A_701, %min3A_750 : vector<16xf32>
      %jit3A_789 = arith.constant 1.000000e+00 : f32
      %jit3A_790 = arith.constant 0.000000e+00 : f32
      %broadcast_in_dim3A_791 = vector.broadcast %jit3A_789 : f32 to vector<16xf32>
      %broadcast_in_dim3A_792 = vector.broadcast %jit3A_790 : f32 to vector<16xf32>
      %select_n3A_793 = arith.select %eq3A_788, %broadcast_in_dim3A_791, %broadcast_in_dim3A_792 : vector<16xi1>, vector<16xf32>
      %add3A_794 = arith.addf %add3A_787, %select_n3A_793 : vector<16xf32>
      %iota3A_795 = tpu.iota {dimensions = array<i32: 0>} : vector<16xi32>
      %add3A_796 = arith.constant 8 : i32
      %add3A_797 = vector.broadcast %add3A_796 : i32 to vector<16xi32>
      %add3A_798 = arith.addi %iota3A_795, %add3A_797 : vector<16xi32>
      %and3A_799 = arith.constant 15 : i32
      %and3A_800 = vector.broadcast %and3A_799 : i32 to vector<16xi32>
      %and3A_801 = arith.andi %add3A_798, %and3A_800 : vector<16xi32>
      %broadcast_in_dim3A_802 = vector.shape_cast %and3A_801 : vector<16xi32> to vector<16x1xi32>
      %gather3A_803 = vector.shape_cast %broadcast_in_dim3A_802 : vector<16x1xi32> to vector<16xi32>
      %gather3A_804 = tpu.dynamic_gather %add3A_794[%gather3A_803] in [0] : vector<16xf32>, vector<16xi32> -> vector<16xf32>
      %add3A_805 = arith.addf %add3A_794, %gather3A_804 : vector<16xf32>
      %iota3A_806 = tpu.iota {dimensions = array<i32: 0>} : vector<16xi32>
      %add3A_807 = arith.constant 4 : i32
      %add3A_808 = vector.broadcast %add3A_807 : i32 to vector<16xi32>
      %add3A_809 = arith.addi %iota3A_806, %add3A_808 : vector<16xi32>
      %and3A_810 = arith.constant 15 : i32
      %and3A_811 = vector.broadcast %and3A_810 : i32 to vector<16xi32>
      %and3A_812 = arith.andi %add3A_809, %and3A_811 : vector<16xi32>
      %broadcast_in_dim3A_813 = vector.shape_cast %and3A_812 : vector<16xi32> to vector<16x1xi32>
      %gather3A_814 = vector.shape_cast %broadcast_in_dim3A_813 : vector<16x1xi32> to vector<16xi32>
      %gather3A_815 = tpu.dynamic_gather %add3A_805[%gather3A_814] in [0] : vector<16xf32>, vector<16xi32> -> vector<16xf32>
      %add3A_816 = arith.addf %add3A_805, %gather3A_815 : vector<16xf32>
      %iota3A_817 = tpu.iota {dimensions = array<i32: 0>} : vector<16xi32>
      %add3A_818 = arith.constant 2 : i32
      %add3A_819 = vector.broadcast %add3A_818 : i32 to vector<16xi32>
      %add3A_820 = arith.addi %iota3A_817, %add3A_819 : vector<16xi32>
      %and3A_821 = arith.constant 15 : i32
      %and3A_822 = vector.broadcast %and3A_821 : i32 to vector<16xi32>
      %and3A_823 = arith.andi %add3A_820, %and3A_822 : vector<16xi32>
      %broadcast_in_dim3A_824 = vector.shape_cast %and3A_823 : vector<16xi32> to vector<16x1xi32>
      %gather3A_825 = vector.shape_cast %broadcast_in_dim3A_824 : vector<16x1xi32> to vector<16xi32>
      %gather3A_826 = tpu.dynamic_gather %add3A_816[%gather3A_825] in [0] : vector<16xf32>, vector<16xi32> -> vector<16xf32>
      %add3A_827 = arith.addf %add3A_816, %gather3A_826 : vector<16xf32>
      %iota3A_828 = tpu.iota {dimensions = array<i32: 0>} : vector<16xi32>
      %add3A_829 = arith.constant 1 : i32
      %add3A_830 = vector.broadcast %add3A_829 : i32 to vector<16xi32>
      %add3A_831 = arith.addi %iota3A_828, %add3A_830 : vector<16xi32>
      %and3A_832 = arith.constant 15 : i32
      %and3A_833 = vector.broadcast %and3A_832 : i32 to vector<16xi32>
      %and3A_834 = arith.andi %add3A_831, %and3A_833 : vector<16xi32>
      %broadcast_in_dim3A_835 = vector.shape_cast %and3A_834 : vector<16xi32> to vector<16x1xi32>
      %gather3A_836 = vector.shape_cast %broadcast_in_dim3A_835 : vector<16x1xi32> to vector<16xi32>
      %gather3A_837 = tpu.dynamic_gather %add3A_827[%gather3A_836] in [0] : vector<16xf32>, vector<16xi32> -> vector<16xf32>
      %add3A_838 = arith.addf %add3A_827, %gather3A_837 : vector<16xf32>
      %broadcast_in_dim3A_839 = arith.constant 6.000000e+00 : f32
      %broadcast_in_dim3A_840 = vector.broadcast %broadcast_in_dim3A_839 : f32 to vector<16xf32>
      %sub3A_841 = arith.subf %broadcast_in_dim3A_840, %add3A_677 : vector<16xf32>
      %jit3A_842 = arith.constant 0.000000e+00 : f32
      %max3A_843 = vector.broadcast %jit3A_842 : f32 to vector<16xf32>
      %max3A_844 = arith.maximumf %max3A_843, %sub3A_841 : vector<16xf32>
      %min3A_845 = arith.minimumf %add3A_838, %max3A_844 : vector<16xf32>
      %max3A_846 = arith.constant 9.99999996E-13 : f32
      %max3A_847 = vector.broadcast %max3A_846 : f32 to vector<16xf32>
      %max3A_848 = arith.maximumf %min3A_750, %max3A_847 : vector<16xf32>
      %bitcast_convert_type3A_849 = tpu.bitcast %max3A_848 : vector<16xf32> -> vector<16xi32>
      %shift_right_logical3A_850 = arith.constant 1 : i32
      %shift_right_logical3A_851 = vector.broadcast %shift_right_logical3A_850 : i32 to vector<16xi32>
      %shift_right_logical3A_852 = arith.shrui %bitcast_convert_type3A_849, %shift_right_logical3A_851 : vector<16xi32>
      %add3A_853 = arith.constant 532487669 : i32
      %add3A_854 = vector.broadcast %add3A_853 : i32 to vector<16xi32>
      %add3A_855 = arith.addi %add3A_854, %shift_right_logical3A_852 : vector<16xi32>
      %bitcast_convert_type3A_856 = tpu.bitcast %add3A_855 : vector<16xi32> -> vector<16xf32>
      %div3A_857 = arith.divf %max3A_848, %bitcast_convert_type3A_856 : vector<16xf32>
      %add3A_858 = arith.addf %bitcast_convert_type3A_856, %div3A_857 : vector<16xf32>
      %mul3A_859 = arith.constant 5.000000e-01 : f32
      %mul3A_860 = vector.broadcast %mul3A_859 : f32 to vector<16xf32>
      %mul3A_861 = arith.mulf %mul3A_860, %add3A_858 : vector<16xf32>
      %div3A_862 = arith.divf %max3A_848, %mul3A_861 : vector<16xf32>
      %add3A_863 = arith.addf %mul3A_861, %div3A_862 : vector<16xf32>
      %mul3A_864 = arith.constant 5.000000e-01 : f32
      %mul3A_865 = vector.broadcast %mul3A_864 : f32 to vector<16xf32>
      %mul3A_866 = arith.mulf %mul3A_865, %add3A_863 : vector<16xf32>
      %div3A_867 = arith.divf %max3A_848, %mul3A_866 : vector<16xf32>
      %add3A_868 = arith.addf %mul3A_866, %div3A_867 : vector<16xf32>
      %mul3A_869 = arith.constant 5.000000e-01 : f32
      %mul3A_870 = vector.broadcast %mul3A_869 : f32 to vector<16xf32>
      %mul3A_871 = arith.mulf %mul3A_870, %add3A_868 : vector<16xf32>
      %gt3A_872 = arith.constant 0.000000e+00 : f32
      %gt3A_873 = vector.broadcast %gt3A_872 : f32 to vector<16xf32>
      %gt3A_874 = arith.cmpf ogt, %min3A_845, %gt3A_873 : vector<16xf32>
      %mul3A_875 = arith.mulf %min3A_845, %mul3A_871 : vector<16xf32>
      %jit3A_876 = arith.constant 0.000000e+00 : f32
      %broadcast_in_dim3A_877 = vector.broadcast %jit3A_876 : f32 to vector<16xf32>
      %select_n3A_878 = arith.select %gt3A_874, %mul3A_875, %broadcast_in_dim3A_877 : vector<16xi1>, vector<16xf32>
      %add3A_879 = arith.addf %add3A_652, %select_n3A_878 : vector<16xf32>
      %lt3A_880 = arith.constant 6.000000e+00 : f32
      %lt3A_881 = vector.broadcast %lt3A_880 : f32 to vector<16xf32>
      %lt3A_882 = arith.cmpf olt, %add3A_677, %lt3A_881 : vector<16xf32>
      %jit3A_883 = arith.constant 1.000000e+00 : f32
      %jit3A_884 = arith.constant 0.000000e+00 : f32
      %broadcast_in_dim3A_885 = vector.broadcast %jit3A_883 : f32 to vector<16xf32>
      %broadcast_in_dim3A_886 = vector.broadcast %jit3A_884 : f32 to vector<16xf32>
      %select_n3A_887 = arith.select %lt3A_882, %broadcast_in_dim3A_885, %broadcast_in_dim3A_886 : vector<16xi1>, vector<16xf32>
      %add3A_888 = arith.addf %add3A_677, %add3A_838 : vector<16xf32>
      %ge3A_889 = arith.constant 6.000000e+00 : f32
      %ge3A_890 = vector.broadcast %ge3A_889 : f32 to vector<16xf32>
      %ge3A_891 = arith.cmpf oge, %add3A_888, %ge3A_890 : vector<16xf32>
      %jit3A_892 = arith.constant 1.000000e+00 : f32
      %jit3A_893 = arith.constant 0.000000e+00 : f32
      %broadcast_in_dim3A_894 = vector.broadcast %jit3A_892 : f32 to vector<16xf32>
      %broadcast_in_dim3A_895 = vector.broadcast %jit3A_893 : f32 to vector<16xf32>
      %select_n3A_896 = arith.select %ge3A_891, %broadcast_in_dim3A_894, %broadcast_in_dim3A_895 : vector<16xi1>, vector<16xf32>
      %mul3A_897 = arith.mulf %select_n3A_887, %select_n3A_896 : vector<16xf32>
      %sub3A_898 = arith.subf %min3A_750, %add3A_673 : vector<16xf32>
      %mul3A_899 = arith.mulf %mul3A_897, %sub3A_898 : vector<16xf32>
      %add3A_900 = arith.addf %add3A_673, %mul3A_899 : vector<16xf32>
      %sub3A_901 = arith.subf %add3A_677, %add3A_676 : vector<16xf32>
      %mul3A_902 = arith.mulf %mul3A_897, %sub3A_901 : vector<16xf32>
      %add3A_903 = arith.addf %add3A_676, %mul3A_902 : vector<16xf32>
      %add3A_904 = arith.addf %add3A_677, %add3A_838 : vector<16xf32>
      %eq3A_905 = arith.cmpf oeq, %select_n3A_681, %min3A_750 : vector<16xf32>
      %jit3A_906 = arith.constant 0x7F800000 : f32
      %broadcast_in_dim3A_907 = vector.broadcast %jit3A_906 : f32 to vector<16xf32>
      %select_n3A_908 = arith.select %eq3A_905, %broadcast_in_dim3A_907, %select_n3A_681 : vector<16xi1>, vector<16xf32>
      %eq3A_909 = arith.cmpf oeq, %select_n3A_685, %min3A_750 : vector<16xf32>
      %jit3A_910 = arith.constant 0x7F800000 : f32
      %broadcast_in_dim3A_911 = vector.broadcast %jit3A_910 : f32 to vector<16xf32>
      %select_n3A_912 = arith.select %eq3A_909, %broadcast_in_dim3A_911, %select_n3A_685 : vector<16xi1>, vector<16xf32>
      %eq3A_913 = arith.cmpf oeq, %select_n3A_689, %min3A_750 : vector<16xf32>
      %jit3A_914 = arith.constant 0x7F800000 : f32
      %broadcast_in_dim3A_915 = vector.broadcast %jit3A_914 : f32 to vector<16xf32>
      %select_n3A_916 = arith.select %eq3A_913, %broadcast_in_dim3A_915, %select_n3A_689 : vector<16xi1>, vector<16xf32>
      %eq3A_917 = arith.cmpf oeq, %select_n3A_693, %min3A_750 : vector<16xf32>
      %jit3A_918 = arith.constant 0x7F800000 : f32
      %broadcast_in_dim3A_919 = vector.broadcast %jit3A_918 : f32 to vector<16xf32>
      %select_n3A_920 = arith.select %eq3A_917, %broadcast_in_dim3A_919, %select_n3A_693 : vector<16xi1>, vector<16xf32>
      %eq3A_921 = arith.cmpf oeq, %select_n3A_697, %min3A_750 : vector<16xf32>
      %jit3A_922 = arith.constant 0x7F800000 : f32
      %broadcast_in_dim3A_923 = vector.broadcast %jit3A_922 : f32 to vector<16xf32>
      %select_n3A_924 = arith.select %eq3A_921, %broadcast_in_dim3A_923, %select_n3A_697 : vector<16xi1>, vector<16xf32>
      %eq3A_925 = arith.cmpf oeq, %select_n3A_701, %min3A_750 : vector<16xf32>
      %jit3A_926 = arith.constant 0x7F800000 : f32
      %broadcast_in_dim3A_927 = vector.broadcast %jit3A_926 : f32 to vector<16xf32>
      %select_n3A_928 = arith.select %eq3A_925, %broadcast_in_dim3A_927, %select_n3A_701 : vector<16xi1>, vector<16xf32>
      %min3A_929 = arith.minimumf %select_n3A_908, %select_n3A_912 : vector<16xf32>
      %min3A_930 = arith.minimumf %min3A_929, %select_n3A_916 : vector<16xf32>
      %min3A_931 = arith.minimumf %min3A_930, %select_n3A_920 : vector<16xf32>
      %min3A_932 = arith.minimumf %min3A_931, %select_n3A_924 : vector<16xf32>
      %min3A_933 = arith.minimumf %min3A_932, %select_n3A_928 : vector<16xf32>
      %iota3A_934 = tpu.iota {dimensions = array<i32: 0>} : vector<16xi32>
      %add3A_935 = arith.constant 8 : i32
      %add3A_936 = vector.broadcast %add3A_935 : i32 to vector<16xi32>
      %add3A_937 = arith.addi %iota3A_934, %add3A_936 : vector<16xi32>
      %and3A_938 = arith.constant 15 : i32
      %and3A_939 = vector.broadcast %and3A_938 : i32 to vector<16xi32>
      %and3A_940 = arith.andi %add3A_937, %and3A_939 : vector<16xi32>
      %broadcast_in_dim3A_941 = vector.shape_cast %and3A_940 : vector<16xi32> to vector<16x1xi32>
      %gather3A_942 = vector.shape_cast %broadcast_in_dim3A_941 : vector<16x1xi32> to vector<16xi32>
      %gather3A_943 = tpu.dynamic_gather %min3A_933[%gather3A_942] in [0] : vector<16xf32>, vector<16xi32> -> vector<16xf32>
      %min3A_944 = arith.minimumf %min3A_933, %gather3A_943 : vector<16xf32>
      %iota3A_945 = tpu.iota {dimensions = array<i32: 0>} : vector<16xi32>
      %add3A_946 = arith.constant 4 : i32
      %add3A_947 = vector.broadcast %add3A_946 : i32 to vector<16xi32>
      %add3A_948 = arith.addi %iota3A_945, %add3A_947 : vector<16xi32>
      %and3A_949 = arith.constant 15 : i32
      %and3A_950 = vector.broadcast %and3A_949 : i32 to vector<16xi32>
      %and3A_951 = arith.andi %add3A_948, %and3A_950 : vector<16xi32>
      %broadcast_in_dim3A_952 = vector.shape_cast %and3A_951 : vector<16xi32> to vector<16x1xi32>
      %gather3A_953 = vector.shape_cast %broadcast_in_dim3A_952 : vector<16x1xi32> to vector<16xi32>
      %gather3A_954 = tpu.dynamic_gather %min3A_944[%gather3A_953] in [0] : vector<16xf32>, vector<16xi32> -> vector<16xf32>
      %min3A_955 = arith.minimumf %min3A_944, %gather3A_954 : vector<16xf32>
      %iota3A_956 = tpu.iota {dimensions = array<i32: 0>} : vector<16xi32>
      %add3A_957 = arith.constant 2 : i32
      %add3A_958 = vector.broadcast %add3A_957 : i32 to vector<16xi32>
      %add3A_959 = arith.addi %iota3A_956, %add3A_958 : vector<16xi32>
      %and3A_960 = arith.constant 15 : i32
      %and3A_961 = vector.broadcast %and3A_960 : i32 to vector<16xi32>
      %and3A_962 = arith.andi %add3A_959, %and3A_961 : vector<16xi32>
      %broadcast_in_dim3A_963 = vector.shape_cast %and3A_962 : vector<16xi32> to vector<16x1xi32>
      %gather3A_964 = vector.shape_cast %broadcast_in_dim3A_963 : vector<16x1xi32> to vector<16xi32>
      %gather3A_965 = tpu.dynamic_gather %min3A_955[%gather3A_964] in [0] : vector<16xf32>, vector<16xi32> -> vector<16xf32>
      %min3A_966 = arith.minimumf %min3A_955, %gather3A_965 : vector<16xf32>
      %iota3A_967 = tpu.iota {dimensions = array<i32: 0>} : vector<16xi32>
      %add3A_968 = arith.constant 1 : i32
      %add3A_969 = vector.broadcast %add3A_968 : i32 to vector<16xi32>
      %add3A_970 = arith.addi %iota3A_967, %add3A_969 : vector<16xi32>
      %and3A_971 = arith.constant 15 : i32
      %and3A_972 = vector.broadcast %and3A_971 : i32 to vector<16xi32>
      %and3A_973 = arith.andi %add3A_970, %and3A_972 : vector<16xi32>
      %broadcast_in_dim3A_974 = vector.shape_cast %and3A_973 : vector<16xi32> to vector<16x1xi32>
      %gather3A_975 = vector.shape_cast %broadcast_in_dim3A_974 : vector<16x1xi32> to vector<16xi32>
      %gather3A_976 = tpu.dynamic_gather %min3A_966[%gather3A_975] in [0] : vector<16xf32>, vector<16xi32> -> vector<16xf32>
      %min3A_977 = arith.minimumf %min3A_966, %gather3A_976 : vector<16xf32>
      %broadcast_in_dim3A_978 = arith.constant 0.000000e+00 : f32
      %broadcast_in_dim3A_979 = vector.broadcast %broadcast_in_dim3A_978 : f32 to vector<16xf32>
      %eq3A_980 = arith.cmpf oeq, %select_n3A_908, %min3A_977 : vector<16xf32>
      %jit3A_981 = arith.constant 1.000000e+00 : f32
      %jit3A_982 = arith.constant 0.000000e+00 : f32
      %broadcast_in_dim3A_983 = vector.broadcast %jit3A_981 : f32 to vector<16xf32>
      %broadcast_in_dim3A_984 = vector.broadcast %jit3A_982 : f32 to vector<16xf32>
      %select_n3A_985 = arith.select %eq3A_980, %broadcast_in_dim3A_983, %broadcast_in_dim3A_984 : vector<16xi1>, vector<16xf32>
      %add3A_986 = arith.addf %broadcast_in_dim3A_979, %select_n3A_985 : vector<16xf32>
      %eq3A_987 = arith.cmpf oeq, %select_n3A_912, %min3A_977 : vector<16xf32>
      %jit3A_988 = arith.constant 1.000000e+00 : f32
      %jit3A_989 = arith.constant 0.000000e+00 : f32
      %broadcast_in_dim3A_990 = vector.broadcast %jit3A_988 : f32 to vector<16xf32>
      %broadcast_in_dim3A_991 = vector.broadcast %jit3A_989 : f32 to vector<16xf32>
      %select_n3A_992 = arith.select %eq3A_987, %broadcast_in_dim3A_990, %broadcast_in_dim3A_991 : vector<16xi1>, vector<16xf32>
      %add3A_993 = arith.addf %add3A_986, %select_n3A_992 : vector<16xf32>
      %eq3A_994 = arith.cmpf oeq, %select_n3A_916, %min3A_977 : vector<16xf32>
      %jit3A_995 = arith.constant 1.000000e+00 : f32
      %jit3A_996 = arith.constant 0.000000e+00 : f32
      %broadcast_in_dim3A_997 = vector.broadcast %jit3A_995 : f32 to vector<16xf32>
      %broadcast_in_dim3A_998 = vector.broadcast %jit3A_996 : f32 to vector<16xf32>
      %select_n3A_999 = arith.select %eq3A_994, %broadcast_in_dim3A_997, %broadcast_in_dim3A_998 : vector<16xi1>, vector<16xf32>
      %add3A_1000 = arith.addf %add3A_993, %select_n3A_999 : vector<16xf32>
      %eq3A_1001 = arith.cmpf oeq, %select_n3A_920, %min3A_977 : vector<16xf32>
      %jit3A_1002 = arith.constant 1.000000e+00 : f32
      %jit3A_1003 = arith.constant 0.000000e+00 : f32
      %broadcast_in_dim3A_1004 = vector.broadcast %jit3A_1002 : f32 to vector<16xf32>
      %broadcast_in_dim3A_1005 = vector.broadcast %jit3A_1003 : f32 to vector<16xf32>
      %select_n3A_1006 = arith.select %eq3A_1001, %broadcast_in_dim3A_1004, %broadcast_in_dim3A_1005 : vector<16xi1>, vector<16xf32>
      %add3A_1007 = arith.addf %add3A_1000, %select_n3A_1006 : vector<16xf32>
      %eq3A_1008 = arith.cmpf oeq, %select_n3A_924, %min3A_977 : vector<16xf32>
      %jit3A_1009 = arith.constant 1.000000e+00 : f32
      %jit3A_1010 = arith.constant 0.000000e+00 : f32
      %broadcast_in_dim3A_1011 = vector.broadcast %jit3A_1009 : f32 to vector<16xf32>
      %broadcast_in_dim3A_1012 = vector.broadcast %jit3A_1010 : f32 to vector<16xf32>
      %select_n3A_1013 = arith.select %eq3A_1008, %broadcast_in_dim3A_1011, %broadcast_in_dim3A_1012 : vector<16xi1>, vector<16xf32>
      %add3A_1014 = arith.addf %add3A_1007, %select_n3A_1013 : vector<16xf32>
      %eq3A_1015 = arith.cmpf oeq, %select_n3A_928, %min3A_977 : vector<16xf32>
      %jit3A_1016 = arith.constant 1.000000e+00 : f32
      %jit3A_1017 = arith.constant 0.000000e+00 : f32
      %broadcast_in_dim3A_1018 = vector.broadcast %jit3A_1016 : f32 to vector<16xf32>
      %broadcast_in_dim3A_1019 = vector.broadcast %jit3A_1017 : f32 to vector<16xf32>
      %select_n3A_1020 = arith.select %eq3A_1015, %broadcast_in_dim3A_1018, %broadcast_in_dim3A_1019 : vector<16xi1>, vector<16xf32>
      %add3A_1021 = arith.addf %add3A_1014, %select_n3A_1020 : vector<16xf32>
      %iota3A_1022 = tpu.iota {dimensions = array<i32: 0>} : vector<16xi32>
      %add3A_1023 = arith.constant 8 : i32
      %add3A_1024 = vector.broadcast %add3A_1023 : i32 to vector<16xi32>
      %add3A_1025 = arith.addi %iota3A_1022, %add3A_1024 : vector<16xi32>
      %and3A_1026 = arith.constant 15 : i32
      %and3A_1027 = vector.broadcast %and3A_1026 : i32 to vector<16xi32>
      %and3A_1028 = arith.andi %add3A_1025, %and3A_1027 : vector<16xi32>
      %broadcast_in_dim3A_1029 = vector.shape_cast %and3A_1028 : vector<16xi32> to vector<16x1xi32>
      %gather3A_1030 = vector.shape_cast %broadcast_in_dim3A_1029 : vector<16x1xi32> to vector<16xi32>
      %gather3A_1031 = tpu.dynamic_gather %add3A_1021[%gather3A_1030] in [0] : vector<16xf32>, vector<16xi32> -> vector<16xf32>
      %add3A_1032 = arith.addf %add3A_1021, %gather3A_1031 : vector<16xf32>
      %iota3A_1033 = tpu.iota {dimensions = array<i32: 0>} : vector<16xi32>
      %add3A_1034 = arith.constant 4 : i32
      %add3A_1035 = vector.broadcast %add3A_1034 : i32 to vector<16xi32>
      %add3A_1036 = arith.addi %iota3A_1033, %add3A_1035 : vector<16xi32>
      %and3A_1037 = arith.constant 15 : i32
      %and3A_1038 = vector.broadcast %and3A_1037 : i32 to vector<16xi32>
      %and3A_1039 = arith.andi %add3A_1036, %and3A_1038 : vector<16xi32>
      %broadcast_in_dim3A_1040 = vector.shape_cast %and3A_1039 : vector<16xi32> to vector<16x1xi32>
      %gather3A_1041 = vector.shape_cast %broadcast_in_dim3A_1040 : vector<16x1xi32> to vector<16xi32>
      %gather3A_1042 = tpu.dynamic_gather %add3A_1032[%gather3A_1041] in [0] : vector<16xf32>, vector<16xi32> -> vector<16xf32>
      %add3A_1043 = arith.addf %add3A_1032, %gather3A_1042 : vector<16xf32>
      %iota3A_1044 = tpu.iota {dimensions = array<i32: 0>} : vector<16xi32>
      %add3A_1045 = arith.constant 2 : i32
      %add3A_1046 = vector.broadcast %add3A_1045 : i32 to vector<16xi32>
      %add3A_1047 = arith.addi %iota3A_1044, %add3A_1046 : vector<16xi32>
      %and3A_1048 = arith.constant 15 : i32
      %and3A_1049 = vector.broadcast %and3A_1048 : i32 to vector<16xi32>
      %and3A_1050 = arith.andi %add3A_1047, %and3A_1049 : vector<16xi32>
      %broadcast_in_dim3A_1051 = vector.shape_cast %and3A_1050 : vector<16xi32> to vector<16x1xi32>
      %gather3A_1052 = vector.shape_cast %broadcast_in_dim3A_1051 : vector<16x1xi32> to vector<16xi32>
      %gather3A_1053 = tpu.dynamic_gather %add3A_1043[%gather3A_1052] in [0] : vector<16xf32>, vector<16xi32> -> vector<16xf32>
      %add3A_1054 = arith.addf %add3A_1043, %gather3A_1053 : vector<16xf32>
      %iota3A_1055 = tpu.iota {dimensions = array<i32: 0>} : vector<16xi32>
      %add3A_1056 = arith.constant 1 : i32
      %add3A_1057 = vector.broadcast %add3A_1056 : i32 to vector<16xi32>
      %add3A_1058 = arith.addi %iota3A_1055, %add3A_1057 : vector<16xi32>
      %and3A_1059 = arith.constant 15 : i32
      %and3A_1060 = vector.broadcast %and3A_1059 : i32 to vector<16xi32>
      %and3A_1061 = arith.andi %add3A_1058, %and3A_1060 : vector<16xi32>
      %broadcast_in_dim3A_1062 = vector.shape_cast %and3A_1061 : vector<16xi32> to vector<16x1xi32>
      %gather3A_1063 = vector.shape_cast %broadcast_in_dim3A_1062 : vector<16x1xi32> to vector<16xi32>
      %gather3A_1064 = tpu.dynamic_gather %add3A_1054[%gather3A_1063] in [0] : vector<16xf32>, vector<16xi32> -> vector<16xf32>
      %add3A_1065 = arith.addf %add3A_1054, %gather3A_1064 : vector<16xf32>
      %broadcast_in_dim3A_1066 = arith.constant 6.000000e+00 : f32
      %broadcast_in_dim3A_1067 = vector.broadcast %broadcast_in_dim3A_1066 : f32 to vector<16xf32>
      %sub3A_1068 = arith.subf %broadcast_in_dim3A_1067, %add3A_904 : vector<16xf32>
      %jit3A_1069 = arith.constant 0.000000e+00 : f32
      %max3A_1070 = vector.broadcast %jit3A_1069 : f32 to vector<16xf32>
      %max3A_1071 = arith.maximumf %max3A_1070, %sub3A_1068 : vector<16xf32>
      %min3A_1072 = arith.minimumf %add3A_1065, %max3A_1071 : vector<16xf32>
      %max3A_1073 = arith.constant 9.99999996E-13 : f32
      %max3A_1074 = vector.broadcast %max3A_1073 : f32 to vector<16xf32>
      %max3A_1075 = arith.maximumf %min3A_977, %max3A_1074 : vector<16xf32>
      %bitcast_convert_type3A_1076 = tpu.bitcast %max3A_1075 : vector<16xf32> -> vector<16xi32>
      %shift_right_logical3A_1077 = arith.constant 1 : i32
      %shift_right_logical3A_1078 = vector.broadcast %shift_right_logical3A_1077 : i32 to vector<16xi32>
      %shift_right_logical3A_1079 = arith.shrui %bitcast_convert_type3A_1076, %shift_right_logical3A_1078 : vector<16xi32>
      %add3A_1080 = arith.constant 532487669 : i32
      %add3A_1081 = vector.broadcast %add3A_1080 : i32 to vector<16xi32>
      %add3A_1082 = arith.addi %add3A_1081, %shift_right_logical3A_1079 : vector<16xi32>
      %bitcast_convert_type3A_1083 = tpu.bitcast %add3A_1082 : vector<16xi32> -> vector<16xf32>
      %div3A_1084 = arith.divf %max3A_1075, %bitcast_convert_type3A_1083 : vector<16xf32>
      %add3A_1085 = arith.addf %bitcast_convert_type3A_1083, %div3A_1084 : vector<16xf32>
      %mul3A_1086 = arith.constant 5.000000e-01 : f32
      %mul3A_1087 = vector.broadcast %mul3A_1086 : f32 to vector<16xf32>
      %mul3A_1088 = arith.mulf %mul3A_1087, %add3A_1085 : vector<16xf32>
      %div3A_1089 = arith.divf %max3A_1075, %mul3A_1088 : vector<16xf32>
      %add3A_1090 = arith.addf %mul3A_1088, %div3A_1089 : vector<16xf32>
      %mul3A_1091 = arith.constant 5.000000e-01 : f32
      %mul3A_1092 = vector.broadcast %mul3A_1091 : f32 to vector<16xf32>
      %mul3A_1093 = arith.mulf %mul3A_1092, %add3A_1090 : vector<16xf32>
      %div3A_1094 = arith.divf %max3A_1075, %mul3A_1093 : vector<16xf32>
      %add3A_1095 = arith.addf %mul3A_1093, %div3A_1094 : vector<16xf32>
      %mul3A_1096 = arith.constant 5.000000e-01 : f32
      %mul3A_1097 = vector.broadcast %mul3A_1096 : f32 to vector<16xf32>
      %mul3A_1098 = arith.mulf %mul3A_1097, %add3A_1095 : vector<16xf32>
      %gt3A_1099 = arith.constant 0.000000e+00 : f32
      %gt3A_1100 = vector.broadcast %gt3A_1099 : f32 to vector<16xf32>
      %gt3A_1101 = arith.cmpf ogt, %min3A_1072, %gt3A_1100 : vector<16xf32>
      %mul3A_1102 = arith.mulf %min3A_1072, %mul3A_1098 : vector<16xf32>
      %jit3A_1103 = arith.constant 0.000000e+00 : f32
      %broadcast_in_dim3A_1104 = vector.broadcast %jit3A_1103 : f32 to vector<16xf32>
      %select_n3A_1105 = arith.select %gt3A_1101, %mul3A_1102, %broadcast_in_dim3A_1104 : vector<16xi1>, vector<16xf32>
      %add3A_1106 = arith.addf %add3A_879, %select_n3A_1105 : vector<16xf32>
      %lt3A_1107 = arith.constant 6.000000e+00 : f32
      %lt3A_1108 = vector.broadcast %lt3A_1107 : f32 to vector<16xf32>
      %lt3A_1109 = arith.cmpf olt, %add3A_904, %lt3A_1108 : vector<16xf32>
      %jit3A_1110 = arith.constant 1.000000e+00 : f32
      %jit3A_1111 = arith.constant 0.000000e+00 : f32
      %broadcast_in_dim3A_1112 = vector.broadcast %jit3A_1110 : f32 to vector<16xf32>
      %broadcast_in_dim3A_1113 = vector.broadcast %jit3A_1111 : f32 to vector<16xf32>
      %select_n3A_1114 = arith.select %lt3A_1109, %broadcast_in_dim3A_1112, %broadcast_in_dim3A_1113 : vector<16xi1>, vector<16xf32>
      %add3A_1115 = arith.addf %add3A_904, %add3A_1065 : vector<16xf32>
      %ge3A_1116 = arith.constant 6.000000e+00 : f32
      %ge3A_1117 = vector.broadcast %ge3A_1116 : f32 to vector<16xf32>
      %ge3A_1118 = arith.cmpf oge, %add3A_1115, %ge3A_1117 : vector<16xf32>
      %jit3A_1119 = arith.constant 1.000000e+00 : f32
      %jit3A_1120 = arith.constant 0.000000e+00 : f32
      %broadcast_in_dim3A_1121 = vector.broadcast %jit3A_1119 : f32 to vector<16xf32>
      %broadcast_in_dim3A_1122 = vector.broadcast %jit3A_1120 : f32 to vector<16xf32>
      %select_n3A_1123 = arith.select %ge3A_1118, %broadcast_in_dim3A_1121, %broadcast_in_dim3A_1122 : vector<16xi1>, vector<16xf32>
      %mul3A_1124 = arith.mulf %select_n3A_1114, %select_n3A_1123 : vector<16xf32>
      %sub3A_1125 = arith.subf %min3A_977, %add3A_900 : vector<16xf32>
      %mul3A_1126 = arith.mulf %mul3A_1124, %sub3A_1125 : vector<16xf32>
      %add3A_1127 = arith.addf %add3A_900, %mul3A_1126 : vector<16xf32>
      %sub3A_1128 = arith.subf %add3A_904, %add3A_903 : vector<16xf32>
      %mul3A_1129 = arith.mulf %mul3A_1124, %sub3A_1128 : vector<16xf32>
      %add3A_1130 = arith.addf %add3A_903, %mul3A_1129 : vector<16xf32>
      %add3A_1131 = arith.addf %add3A_904, %add3A_1065 : vector<16xf32>
      %eq3A_1132 = arith.cmpf oeq, %select_n3A_908, %min3A_977 : vector<16xf32>
      %jit3A_1133 = arith.constant 0x7F800000 : f32
      %broadcast_in_dim3A_1134 = vector.broadcast %jit3A_1133 : f32 to vector<16xf32>
      %select_n3A_1135 = arith.select %eq3A_1132, %broadcast_in_dim3A_1134, %select_n3A_908 : vector<16xi1>, vector<16xf32>
      %eq3A_1136 = arith.cmpf oeq, %select_n3A_912, %min3A_977 : vector<16xf32>
      %jit3A_1137 = arith.constant 0x7F800000 : f32
      %broadcast_in_dim3A_1138 = vector.broadcast %jit3A_1137 : f32 to vector<16xf32>
      %select_n3A_1139 = arith.select %eq3A_1136, %broadcast_in_dim3A_1138, %select_n3A_912 : vector<16xi1>, vector<16xf32>
      %eq3A_1140 = arith.cmpf oeq, %select_n3A_916, %min3A_977 : vector<16xf32>
      %jit3A_1141 = arith.constant 0x7F800000 : f32
      %broadcast_in_dim3A_1142 = vector.broadcast %jit3A_1141 : f32 to vector<16xf32>
      %select_n3A_1143 = arith.select %eq3A_1140, %broadcast_in_dim3A_1142, %select_n3A_916 : vector<16xi1>, vector<16xf32>
      %eq3A_1144 = arith.cmpf oeq, %select_n3A_920, %min3A_977 : vector<16xf32>
      %jit3A_1145 = arith.constant 0x7F800000 : f32
      %broadcast_in_dim3A_1146 = vector.broadcast %jit3A_1145 : f32 to vector<16xf32>
      %select_n3A_1147 = arith.select %eq3A_1144, %broadcast_in_dim3A_1146, %select_n3A_920 : vector<16xi1>, vector<16xf32>
      %eq3A_1148 = arith.cmpf oeq, %select_n3A_924, %min3A_977 : vector<16xf32>
      %jit3A_1149 = arith.constant 0x7F800000 : f32
      %broadcast_in_dim3A_1150 = vector.broadcast %jit3A_1149 : f32 to vector<16xf32>
      %select_n3A_1151 = arith.select %eq3A_1148, %broadcast_in_dim3A_1150, %select_n3A_924 : vector<16xi1>, vector<16xf32>
      %eq3A_1152 = arith.cmpf oeq, %select_n3A_928, %min3A_977 : vector<16xf32>
      %jit3A_1153 = arith.constant 0x7F800000 : f32
      %broadcast_in_dim3A_1154 = vector.broadcast %jit3A_1153 : f32 to vector<16xf32>
      %select_n3A_1155 = arith.select %eq3A_1152, %broadcast_in_dim3A_1154, %select_n3A_928 : vector<16xi1>, vector<16xf32>
      %min3A_1156 = arith.minimumf %select_n3A_1135, %select_n3A_1139 : vector<16xf32>
      %min3A_1157 = arith.minimumf %min3A_1156, %select_n3A_1143 : vector<16xf32>
      %min3A_1158 = arith.minimumf %min3A_1157, %select_n3A_1147 : vector<16xf32>
      %min3A_1159 = arith.minimumf %min3A_1158, %select_n3A_1151 : vector<16xf32>
      %min3A_1160 = arith.minimumf %min3A_1159, %select_n3A_1155 : vector<16xf32>
      %iota3A_1161 = tpu.iota {dimensions = array<i32: 0>} : vector<16xi32>
      %add3A_1162 = arith.constant 8 : i32
      %add3A_1163 = vector.broadcast %add3A_1162 : i32 to vector<16xi32>
      %add3A_1164 = arith.addi %iota3A_1161, %add3A_1163 : vector<16xi32>
      %and3A_1165 = arith.constant 15 : i32
      %and3A_1166 = vector.broadcast %and3A_1165 : i32 to vector<16xi32>
      %and3A_1167 = arith.andi %add3A_1164, %and3A_1166 : vector<16xi32>
      %broadcast_in_dim3A_1168 = vector.shape_cast %and3A_1167 : vector<16xi32> to vector<16x1xi32>
      %gather3A_1169 = vector.shape_cast %broadcast_in_dim3A_1168 : vector<16x1xi32> to vector<16xi32>
      %gather3A_1170 = tpu.dynamic_gather %min3A_1160[%gather3A_1169] in [0] : vector<16xf32>, vector<16xi32> -> vector<16xf32>
      %min3A_1171 = arith.minimumf %min3A_1160, %gather3A_1170 : vector<16xf32>
      %iota3A_1172 = tpu.iota {dimensions = array<i32: 0>} : vector<16xi32>
      %add3A_1173 = arith.constant 4 : i32
      %add3A_1174 = vector.broadcast %add3A_1173 : i32 to vector<16xi32>
      %add3A_1175 = arith.addi %iota3A_1172, %add3A_1174 : vector<16xi32>
      %and3A_1176 = arith.constant 15 : i32
      %and3A_1177 = vector.broadcast %and3A_1176 : i32 to vector<16xi32>
      %and3A_1178 = arith.andi %add3A_1175, %and3A_1177 : vector<16xi32>
      %broadcast_in_dim3A_1179 = vector.shape_cast %and3A_1178 : vector<16xi32> to vector<16x1xi32>
      %gather3A_1180 = vector.shape_cast %broadcast_in_dim3A_1179 : vector<16x1xi32> to vector<16xi32>
      %gather3A_1181 = tpu.dynamic_gather %min3A_1171[%gather3A_1180] in [0] : vector<16xf32>, vector<16xi32> -> vector<16xf32>
      %min3A_1182 = arith.minimumf %min3A_1171, %gather3A_1181 : vector<16xf32>
      %iota3A_1183 = tpu.iota {dimensions = array<i32: 0>} : vector<16xi32>
      %add3A_1184 = arith.constant 2 : i32
      %add3A_1185 = vector.broadcast %add3A_1184 : i32 to vector<16xi32>
      %add3A_1186 = arith.addi %iota3A_1183, %add3A_1185 : vector<16xi32>
      %and3A_1187 = arith.constant 15 : i32
      %and3A_1188 = vector.broadcast %and3A_1187 : i32 to vector<16xi32>
      %and3A_1189 = arith.andi %add3A_1186, %and3A_1188 : vector<16xi32>
      %broadcast_in_dim3A_1190 = vector.shape_cast %and3A_1189 : vector<16xi32> to vector<16x1xi32>
      %gather3A_1191 = vector.shape_cast %broadcast_in_dim3A_1190 : vector<16x1xi32> to vector<16xi32>
      %gather3A_1192 = tpu.dynamic_gather %min3A_1182[%gather3A_1191] in [0] : vector<16xf32>, vector<16xi32> -> vector<16xf32>
      %min3A_1193 = arith.minimumf %min3A_1182, %gather3A_1192 : vector<16xf32>
      %iota3A_1194 = tpu.iota {dimensions = array<i32: 0>} : vector<16xi32>
      %add3A_1195 = arith.constant 1 : i32
      %add3A_1196 = vector.broadcast %add3A_1195 : i32 to vector<16xi32>
      %add3A_1197 = arith.addi %iota3A_1194, %add3A_1196 : vector<16xi32>
      %and3A_1198 = arith.constant 15 : i32
      %and3A_1199 = vector.broadcast %and3A_1198 : i32 to vector<16xi32>
      %and3A_1200 = arith.andi %add3A_1197, %and3A_1199 : vector<16xi32>
      %broadcast_in_dim3A_1201 = vector.shape_cast %and3A_1200 : vector<16xi32> to vector<16x1xi32>
      %gather3A_1202 = vector.shape_cast %broadcast_in_dim3A_1201 : vector<16x1xi32> to vector<16xi32>
      %gather3A_1203 = tpu.dynamic_gather %min3A_1193[%gather3A_1202] in [0] : vector<16xf32>, vector<16xi32> -> vector<16xf32>
      %min3A_1204 = arith.minimumf %min3A_1193, %gather3A_1203 : vector<16xf32>
      %broadcast_in_dim3A_1205 = arith.constant 0.000000e+00 : f32
      %broadcast_in_dim3A_1206 = vector.broadcast %broadcast_in_dim3A_1205 : f32 to vector<16xf32>
      %eq3A_1207 = arith.cmpf oeq, %select_n3A_1135, %min3A_1204 : vector<16xf32>
      %jit3A_1208 = arith.constant 1.000000e+00 : f32
      %jit3A_1209 = arith.constant 0.000000e+00 : f32
      %broadcast_in_dim3A_1210 = vector.broadcast %jit3A_1208 : f32 to vector<16xf32>
      %broadcast_in_dim3A_1211 = vector.broadcast %jit3A_1209 : f32 to vector<16xf32>
      %select_n3A_1212 = arith.select %eq3A_1207, %broadcast_in_dim3A_1210, %broadcast_in_dim3A_1211 : vector<16xi1>, vector<16xf32>
      %add3A_1213 = arith.addf %broadcast_in_dim3A_1206, %select_n3A_1212 : vector<16xf32>
      %eq3A_1214 = arith.cmpf oeq, %select_n3A_1139, %min3A_1204 : vector<16xf32>
      %jit3A_1215 = arith.constant 1.000000e+00 : f32
      %jit3A_1216 = arith.constant 0.000000e+00 : f32
      %broadcast_in_dim3A_1217 = vector.broadcast %jit3A_1215 : f32 to vector<16xf32>
      %broadcast_in_dim3A_1218 = vector.broadcast %jit3A_1216 : f32 to vector<16xf32>
      %select_n3A_1219 = arith.select %eq3A_1214, %broadcast_in_dim3A_1217, %broadcast_in_dim3A_1218 : vector<16xi1>, vector<16xf32>
      %add3A_1220 = arith.addf %add3A_1213, %select_n3A_1219 : vector<16xf32>
      %eq3A_1221 = arith.cmpf oeq, %select_n3A_1143, %min3A_1204 : vector<16xf32>
      %jit3A_1222 = arith.constant 1.000000e+00 : f32
      %jit3A_1223 = arith.constant 0.000000e+00 : f32
      %broadcast_in_dim3A_1224 = vector.broadcast %jit3A_1222 : f32 to vector<16xf32>
      %broadcast_in_dim3A_1225 = vector.broadcast %jit3A_1223 : f32 to vector<16xf32>
      %select_n3A_1226 = arith.select %eq3A_1221, %broadcast_in_dim3A_1224, %broadcast_in_dim3A_1225 : vector<16xi1>, vector<16xf32>
      %add3A_1227 = arith.addf %add3A_1220, %select_n3A_1226 : vector<16xf32>
      %eq3A_1228 = arith.cmpf oeq, %select_n3A_1147, %min3A_1204 : vector<16xf32>
      %jit3A_1229 = arith.constant 1.000000e+00 : f32
      %jit3A_1230 = arith.constant 0.000000e+00 : f32
      %broadcast_in_dim3A_1231 = vector.broadcast %jit3A_1229 : f32 to vector<16xf32>
      %broadcast_in_dim3A_1232 = vector.broadcast %jit3A_1230 : f32 to vector<16xf32>
      %select_n3A_1233 = arith.select %eq3A_1228, %broadcast_in_dim3A_1231, %broadcast_in_dim3A_1232 : vector<16xi1>, vector<16xf32>
      %add3A_1234 = arith.addf %add3A_1227, %select_n3A_1233 : vector<16xf32>
      %eq3A_1235 = arith.cmpf oeq, %select_n3A_1151, %min3A_1204 : vector<16xf32>
      %jit3A_1236 = arith.constant 1.000000e+00 : f32
      %jit3A_1237 = arith.constant 0.000000e+00 : f32
      %broadcast_in_dim3A_1238 = vector.broadcast %jit3A_1236 : f32 to vector<16xf32>
      %broadcast_in_dim3A_1239 = vector.broadcast %jit3A_1237 : f32 to vector<16xf32>
      %select_n3A_1240 = arith.select %eq3A_1235, %broadcast_in_dim3A_1238, %broadcast_in_dim3A_1239 : vector<16xi1>, vector<16xf32>
      %add3A_1241 = arith.addf %add3A_1234, %select_n3A_1240 : vector<16xf32>
      %eq3A_1242 = arith.cmpf oeq, %select_n3A_1155, %min3A_1204 : vector<16xf32>
      %jit3A_1243 = arith.constant 1.000000e+00 : f32
      %jit3A_1244 = arith.constant 0.000000e+00 : f32
      %broadcast_in_dim3A_1245 = vector.broadcast %jit3A_1243 : f32 to vector<16xf32>
      %broadcast_in_dim3A_1246 = vector.broadcast %jit3A_1244 : f32 to vector<16xf32>
      %select_n3A_1247 = arith.select %eq3A_1242, %broadcast_in_dim3A_1245, %broadcast_in_dim3A_1246 : vector<16xi1>, vector<16xf32>
      %add3A_1248 = arith.addf %add3A_1241, %select_n3A_1247 : vector<16xf32>
      %iota3A_1249 = tpu.iota {dimensions = array<i32: 0>} : vector<16xi32>
      %add3A_1250 = arith.constant 8 : i32
      %add3A_1251 = vector.broadcast %add3A_1250 : i32 to vector<16xi32>
      %add3A_1252 = arith.addi %iota3A_1249, %add3A_1251 : vector<16xi32>
      %and3A_1253 = arith.constant 15 : i32
      %and3A_1254 = vector.broadcast %and3A_1253 : i32 to vector<16xi32>
      %and3A_1255 = arith.andi %add3A_1252, %and3A_1254 : vector<16xi32>
      %broadcast_in_dim3A_1256 = vector.shape_cast %and3A_1255 : vector<16xi32> to vector<16x1xi32>
      %gather3A_1257 = vector.shape_cast %broadcast_in_dim3A_1256 : vector<16x1xi32> to vector<16xi32>
      %gather3A_1258 = tpu.dynamic_gather %add3A_1248[%gather3A_1257] in [0] : vector<16xf32>, vector<16xi32> -> vector<16xf32>
      %add3A_1259 = arith.addf %add3A_1248, %gather3A_1258 : vector<16xf32>
      %iota3A_1260 = tpu.iota {dimensions = array<i32: 0>} : vector<16xi32>
      %add3A_1261 = arith.constant 4 : i32
      %add3A_1262 = vector.broadcast %add3A_1261 : i32 to vector<16xi32>
      %add3A_1263 = arith.addi %iota3A_1260, %add3A_1262 : vector<16xi32>
      %and3A_1264 = arith.constant 15 : i32
      %and3A_1265 = vector.broadcast %and3A_1264 : i32 to vector<16xi32>
      %and3A_1266 = arith.andi %add3A_1263, %and3A_1265 : vector<16xi32>
      %broadcast_in_dim3A_1267 = vector.shape_cast %and3A_1266 : vector<16xi32> to vector<16x1xi32>
      %gather3A_1268 = vector.shape_cast %broadcast_in_dim3A_1267 : vector<16x1xi32> to vector<16xi32>
      %gather3A_1269 = tpu.dynamic_gather %add3A_1259[%gather3A_1268] in [0] : vector<16xf32>, vector<16xi32> -> vector<16xf32>
      %add3A_1270 = arith.addf %add3A_1259, %gather3A_1269 : vector<16xf32>
      %iota3A_1271 = tpu.iota {dimensions = array<i32: 0>} : vector<16xi32>
      %add3A_1272 = arith.constant 2 : i32
      %add3A_1273 = vector.broadcast %add3A_1272 : i32 to vector<16xi32>
      %add3A_1274 = arith.addi %iota3A_1271, %add3A_1273 : vector<16xi32>
      %and3A_1275 = arith.constant 15 : i32
      %and3A_1276 = vector.broadcast %and3A_1275 : i32 to vector<16xi32>
      %and3A_1277 = arith.andi %add3A_1274, %and3A_1276 : vector<16xi32>
      %broadcast_in_dim3A_1278 = vector.shape_cast %and3A_1277 : vector<16xi32> to vector<16x1xi32>
      %gather3A_1279 = vector.shape_cast %broadcast_in_dim3A_1278 : vector<16x1xi32> to vector<16xi32>
      %gather3A_1280 = tpu.dynamic_gather %add3A_1270[%gather3A_1279] in [0] : vector<16xf32>, vector<16xi32> -> vector<16xf32>
      %add3A_1281 = arith.addf %add3A_1270, %gather3A_1280 : vector<16xf32>
      %iota3A_1282 = tpu.iota {dimensions = array<i32: 0>} : vector<16xi32>
      %add3A_1283 = arith.constant 1 : i32
      %add3A_1284 = vector.broadcast %add3A_1283 : i32 to vector<16xi32>
      %add3A_1285 = arith.addi %iota3A_1282, %add3A_1284 : vector<16xi32>
      %and3A_1286 = arith.constant 15 : i32
      %and3A_1287 = vector.broadcast %and3A_1286 : i32 to vector<16xi32>
      %and3A_1288 = arith.andi %add3A_1285, %and3A_1287 : vector<16xi32>
      %broadcast_in_dim3A_1289 = vector.shape_cast %and3A_1288 : vector<16xi32> to vector<16x1xi32>
      %gather3A_1290 = vector.shape_cast %broadcast_in_dim3A_1289 : vector<16x1xi32> to vector<16xi32>
      %gather3A_1291 = tpu.dynamic_gather %add3A_1281[%gather3A_1290] in [0] : vector<16xf32>, vector<16xi32> -> vector<16xf32>
      %add3A_1292 = arith.addf %add3A_1281, %gather3A_1291 : vector<16xf32>
      %broadcast_in_dim3A_1293 = arith.constant 6.000000e+00 : f32
      %broadcast_in_dim3A_1294 = vector.broadcast %broadcast_in_dim3A_1293 : f32 to vector<16xf32>
      %sub3A_1295 = arith.subf %broadcast_in_dim3A_1294, %add3A_1131 : vector<16xf32>
      %jit3A_1296 = arith.constant 0.000000e+00 : f32
      %max3A_1297 = vector.broadcast %jit3A_1296 : f32 to vector<16xf32>
      %max3A_1298 = arith.maximumf %max3A_1297, %sub3A_1295 : vector<16xf32>
      %min3A_1299 = arith.minimumf %add3A_1292, %max3A_1298 : vector<16xf32>
      %max3A_1300 = arith.constant 9.99999996E-13 : f32
      %max3A_1301 = vector.broadcast %max3A_1300 : f32 to vector<16xf32>
      %max3A_1302 = arith.maximumf %min3A_1204, %max3A_1301 : vector<16xf32>
      %bitcast_convert_type3A_1303 = tpu.bitcast %max3A_1302 : vector<16xf32> -> vector<16xi32>
      %shift_right_logical3A_1304 = arith.constant 1 : i32
      %shift_right_logical3A_1305 = vector.broadcast %shift_right_logical3A_1304 : i32 to vector<16xi32>
      %shift_right_logical3A_1306 = arith.shrui %bitcast_convert_type3A_1303, %shift_right_logical3A_1305 : vector<16xi32>
      %add3A_1307 = arith.constant 532487669 : i32
      %add3A_1308 = vector.broadcast %add3A_1307 : i32 to vector<16xi32>
      %add3A_1309 = arith.addi %add3A_1308, %shift_right_logical3A_1306 : vector<16xi32>
      %bitcast_convert_type3A_1310 = tpu.bitcast %add3A_1309 : vector<16xi32> -> vector<16xf32>
      %div3A_1311 = arith.divf %max3A_1302, %bitcast_convert_type3A_1310 : vector<16xf32>
      %add3A_1312 = arith.addf %bitcast_convert_type3A_1310, %div3A_1311 : vector<16xf32>
      %mul3A_1313 = arith.constant 5.000000e-01 : f32
      %mul3A_1314 = vector.broadcast %mul3A_1313 : f32 to vector<16xf32>
      %mul3A_1315 = arith.mulf %mul3A_1314, %add3A_1312 : vector<16xf32>
      %div3A_1316 = arith.divf %max3A_1302, %mul3A_1315 : vector<16xf32>
      %add3A_1317 = arith.addf %mul3A_1315, %div3A_1316 : vector<16xf32>
      %mul3A_1318 = arith.constant 5.000000e-01 : f32
      %mul3A_1319 = vector.broadcast %mul3A_1318 : f32 to vector<16xf32>
      %mul3A_1320 = arith.mulf %mul3A_1319, %add3A_1317 : vector<16xf32>
      %div3A_1321 = arith.divf %max3A_1302, %mul3A_1320 : vector<16xf32>
      %add3A_1322 = arith.addf %mul3A_1320, %div3A_1321 : vector<16xf32>
      %mul3A_1323 = arith.constant 5.000000e-01 : f32
      %mul3A_1324 = vector.broadcast %mul3A_1323 : f32 to vector<16xf32>
      %mul3A_1325 = arith.mulf %mul3A_1324, %add3A_1322 : vector<16xf32>
      %gt3A_1326 = arith.constant 0.000000e+00 : f32
      %gt3A_1327 = vector.broadcast %gt3A_1326 : f32 to vector<16xf32>
      %gt3A_1328 = arith.cmpf ogt, %min3A_1299, %gt3A_1327 : vector<16xf32>
      %mul3A_1329 = arith.mulf %min3A_1299, %mul3A_1325 : vector<16xf32>
      %jit3A_1330 = arith.constant 0.000000e+00 : f32
      %broadcast_in_dim3A_1331 = vector.broadcast %jit3A_1330 : f32 to vector<16xf32>
      %select_n3A_1332 = arith.select %gt3A_1328, %mul3A_1329, %broadcast_in_dim3A_1331 : vector<16xi1>, vector<16xf32>
      %add3A_1333 = arith.addf %add3A_1106, %select_n3A_1332 : vector<16xf32>
      %lt3A_1334 = arith.constant 6.000000e+00 : f32
      %lt3A_1335 = vector.broadcast %lt3A_1334 : f32 to vector<16xf32>
      %lt3A_1336 = arith.cmpf olt, %add3A_1131, %lt3A_1335 : vector<16xf32>
      %jit3A_1337 = arith.constant 1.000000e+00 : f32
      %jit3A_1338 = arith.constant 0.000000e+00 : f32
      %broadcast_in_dim3A_1339 = vector.broadcast %jit3A_1337 : f32 to vector<16xf32>
      %broadcast_in_dim3A_1340 = vector.broadcast %jit3A_1338 : f32 to vector<16xf32>
      %select_n3A_1341 = arith.select %lt3A_1336, %broadcast_in_dim3A_1339, %broadcast_in_dim3A_1340 : vector<16xi1>, vector<16xf32>
      %add3A_1342 = arith.addf %add3A_1131, %add3A_1292 : vector<16xf32>
      %ge3A_1343 = arith.constant 6.000000e+00 : f32
      %ge3A_1344 = vector.broadcast %ge3A_1343 : f32 to vector<16xf32>
      %ge3A_1345 = arith.cmpf oge, %add3A_1342, %ge3A_1344 : vector<16xf32>
      %jit3A_1346 = arith.constant 1.000000e+00 : f32
      %jit3A_1347 = arith.constant 0.000000e+00 : f32
      %broadcast_in_dim3A_1348 = vector.broadcast %jit3A_1346 : f32 to vector<16xf32>
      %broadcast_in_dim3A_1349 = vector.broadcast %jit3A_1347 : f32 to vector<16xf32>
      %select_n3A_1350 = arith.select %ge3A_1345, %broadcast_in_dim3A_1348, %broadcast_in_dim3A_1349 : vector<16xi1>, vector<16xf32>
      %mul3A_1351 = arith.mulf %select_n3A_1341, %select_n3A_1350 : vector<16xf32>
      %sub3A_1352 = arith.subf %min3A_1204, %add3A_1127 : vector<16xf32>
      %mul3A_1353 = arith.mulf %mul3A_1351, %sub3A_1352 : vector<16xf32>
      %add3A_1354 = arith.addf %add3A_1127, %mul3A_1353 : vector<16xf32>
      %sub3A_1355 = arith.subf %add3A_1131, %add3A_1130 : vector<16xf32>
      %mul3A_1356 = arith.mulf %mul3A_1351, %sub3A_1355 : vector<16xf32>
      %add3A_1357 = arith.addf %add3A_1130, %mul3A_1356 : vector<16xf32>
      %add3A_1358 = arith.addf %add3A_1131, %add3A_1292 : vector<16xf32>
      %sub3A_1359 = arith.subf %add3A_1333, %mul3A_193 : vector<16xf32>
      %get3A = arith.constant 0 : i32
      %get3A_1360 = arith.index_cast %get3A : i32 to index
      %get3A_1361 = arith.constant 0 : index
      %get3A_1362 = tpu.vector_load %arg4[%get3A_1360, %get3A_1361] {strides = array<i32>} : memref<1x2048xf32, #tpu.memory_space<vmem>>, vector<1x16xf32>,
      %get3A_1363 = vector.shape_cast %get3A_1362 : vector<1x16xf32> to vector<16xf32>
      %max3A_1364 = arith.constant 9.99999996E-13 : f32
      %max3A_1365 = vector.broadcast %max3A_1364 : f32 to vector<16xf32>
      %max3A_1366 = arith.maximumf %get3A_1363, %max3A_1365 : vector<16xf32>
      %bitcast_convert_type3A_1367 = tpu.bitcast %max3A_1366 : vector<16xf32> -> vector<16xi32>
      %shift_right_logical3A_1368 = arith.constant 1 : i32
      %shift_right_logical3A_1369 = vector.broadcast %shift_right_logical3A_1368 : i32 to vector<16xi32>
      %shift_right_logical3A_1370 = arith.shrui %bitcast_convert_type3A_1367, %shift_right_logical3A_1369 : vector<16xi32>
      %add3A_1371 = arith.constant 532487669 : i32
      %add3A_1372 = vector.broadcast %add3A_1371 : i32 to vector<16xi32>
      %add3A_1373 = arith.addi %add3A_1372, %shift_right_logical3A_1370 : vector<16xi32>
      %bitcast_convert_type3A_1374 = tpu.bitcast %add3A_1373 : vector<16xi32> -> vector<16xf32>
      %div3A_1375 = arith.divf %max3A_1366, %bitcast_convert_type3A_1374 : vector<16xf32>
      %add3A_1376 = arith.addf %bitcast_convert_type3A_1374, %div3A_1375 : vector<16xf32>
      %mul3A_1377 = arith.constant 5.000000e-01 : f32
      %mul3A_1378 = vector.broadcast %mul3A_1377 : f32 to vector<16xf32>
      %mul3A_1379 = arith.mulf %mul3A_1378, %add3A_1376 : vector<16xf32>
      %div3A_1380 = arith.divf %max3A_1366, %mul3A_1379 : vector<16xf32>
      %add3A_1381 = arith.addf %mul3A_1379, %div3A_1380 : vector<16xf32>
      %mul3A_1382 = arith.constant 5.000000e-01 : f32
      %mul3A_1383 = vector.broadcast %mul3A_1382 : f32 to vector<16xf32>
      %mul3A_1384 = arith.mulf %mul3A_1383, %add3A_1381 : vector<16xf32>
      %div3A_1385 = arith.divf %max3A_1366, %mul3A_1384 : vector<16xf32>
      %add3A_1386 = arith.addf %mul3A_1384, %div3A_1385 : vector<16xf32>
      %mul3A_1387 = arith.constant 5.000000e-01 : f32
      %mul3A_1388 = vector.broadcast %mul3A_1387 : f32 to vector<16xf32>
      %mul3A_1389 = arith.mulf %mul3A_1388, %add3A_1386 : vector<16xf32>
      %iota3A_1390 = tpu.iota {dimensions = array<i32: 0>} : vector<16xi32>
      %eq3A_1391 = arith.cmpf oeq, %get3A_1363, %add3A_1354 : vector<16xf32>
      %jit3A_1392 = arith.constant 1.000000e+00 : f32
      %jit3A_1393 = arith.constant 0.000000e+00 : f32
      %broadcast_in_dim3A_1394 = vector.broadcast %jit3A_1392 : f32 to vector<16xf32>
      %broadcast_in_dim3A_1395 = vector.broadcast %jit3A_1393 : f32 to vector<16xf32>
      %select_n3A_1396 = arith.select %eq3A_1391, %broadcast_in_dim3A_1394, %broadcast_in_dim3A_1395 : vector<16xi1>, vector<16xf32>
      %iota3A_1397 = tpu.iota {dimensions = array<i32: 0>} : vector<16xi32>
      %sub3A_1398 = arith.constant 1 : i32
      %sub3A_1399 = vector.broadcast %sub3A_1398 : i32 to vector<16xi32>
      %sub3A_1400 = arith.subi %iota3A_1397, %sub3A_1399 : vector<16xi32>
      %max3A_1401 = arith.constant 0 : i32
      %max3A_1402 = vector.broadcast %max3A_1401 : i32 to vector<16xi32>
      %max3A_1403 = arith.maxsi %sub3A_1400, %max3A_1402 : vector<16xi32>
      %broadcast_in_dim3A_1404 = vector.shape_cast %max3A_1403 : vector<16xi32> to vector<16x1xi32>
      %gather3A_1405 = vector.shape_cast %broadcast_in_dim3A_1404 : vector<16x1xi32> to vector<16xi32>
      %gather3A_1406 = tpu.dynamic_gather %select_n3A_1396[%gather3A_1405] in [0] : vector<16xf32>, vector<16xi32> -> vector<16xf32>
      %ge3A_1407 = arith.constant 1 : i32
      %ge3A_1408 = vector.broadcast %ge3A_1407 : i32 to vector<16xi32>
      %ge3A_1409 = arith.cmpi sge, %iota3A_1397, %ge3A_1408 : vector<16xi32>
      %jit3A_1410 = arith.constant 0.000000e+00 : f32
      %broadcast_in_dim3A_1411 = vector.broadcast %jit3A_1410 : f32 to vector<16xf32>
      %select_n3A_1412 = arith.select %ge3A_1409, %gather3A_1406, %broadcast_in_dim3A_1411 : vector<16xi1>, vector<16xf32>
      %add3A_1413 = arith.addf %select_n3A_1396, %select_n3A_1412 : vector<16xf32>
      %sub3A_1414 = arith.constant 2 : i32
      %sub3A_1415 = vector.broadcast %sub3A_1414 : i32 to vector<16xi32>
      %sub3A_1416 = arith.subi %iota3A_1397, %sub3A_1415 : vector<16xi32>
      %max3A_1417 = arith.constant 0 : i32
      %max3A_1418 = vector.broadcast %max3A_1417 : i32 to vector<16xi32>
      %max3A_1419 = arith.maxsi %sub3A_1416, %max3A_1418 : vector<16xi32>
      %broadcast_in_dim3A_1420 = vector.shape_cast %max3A_1419 : vector<16xi32> to vector<16x1xi32>
      %gather3A_1421 = vector.shape_cast %broadcast_in_dim3A_1420 : vector<16x1xi32> to vector<16xi32>
      %gather3A_1422 = tpu.dynamic_gather %add3A_1413[%gather3A_1421] in [0] : vector<16xf32>, vector<16xi32> -> vector<16xf32>
      %ge3A_1423 = arith.constant 2 : i32
      %ge3A_1424 = vector.broadcast %ge3A_1423 : i32 to vector<16xi32>
      %ge3A_1425 = arith.cmpi sge, %iota3A_1397, %ge3A_1424 : vector<16xi32>
      %jit3A_1426 = arith.constant 0.000000e+00 : f32
      %broadcast_in_dim3A_1427 = vector.broadcast %jit3A_1426 : f32 to vector<16xf32>
      %select_n3A_1428 = arith.select %ge3A_1425, %gather3A_1422, %broadcast_in_dim3A_1427 : vector<16xi1>, vector<16xf32>
      %add3A_1429 = arith.addf %add3A_1413, %select_n3A_1428 : vector<16xf32>
      %sub3A_1430 = arith.constant 4 : i32
      %sub3A_1431 = vector.broadcast %sub3A_1430 : i32 to vector<16xi32>
      %sub3A_1432 = arith.subi %iota3A_1397, %sub3A_1431 : vector<16xi32>
      %max3A_1433 = arith.constant 0 : i32
      %max3A_1434 = vector.broadcast %max3A_1433 : i32 to vector<16xi32>
      %max3A_1435 = arith.maxsi %sub3A_1432, %max3A_1434 : vector<16xi32>
      %broadcast_in_dim3A_1436 = vector.shape_cast %max3A_1435 : vector<16xi32> to vector<16x1xi32>
      %gather3A_1437 = vector.shape_cast %broadcast_in_dim3A_1436 : vector<16x1xi32> to vector<16xi32>
      %gather3A_1438 = tpu.dynamic_gather %add3A_1429[%gather3A_1437] in [0] : vector<16xf32>, vector<16xi32> -> vector<16xf32>
      %ge3A_1439 = arith.constant 4 : i32
      %ge3A_1440 = vector.broadcast %ge3A_1439 : i32 to vector<16xi32>
      %ge3A_1441 = arith.cmpi sge, %iota3A_1397, %ge3A_1440 : vector<16xi32>
      %jit3A_1442 = arith.constant 0.000000e+00 : f32
      %broadcast_in_dim3A_1443 = vector.broadcast %jit3A_1442 : f32 to vector<16xf32>
      %select_n3A_1444 = arith.select %ge3A_1441, %gather3A_1438, %broadcast_in_dim3A_1443 : vector<16xi1>, vector<16xf32>
      %add3A_1445 = arith.addf %add3A_1429, %select_n3A_1444 : vector<16xf32>
      %sub3A_1446 = arith.constant 8 : i32
      %sub3A_1447 = vector.broadcast %sub3A_1446 : i32 to vector<16xi32>
      %sub3A_1448 = arith.subi %iota3A_1397, %sub3A_1447 : vector<16xi32>
      %max3A_1449 = arith.constant 0 : i32
      %max3A_1450 = vector.broadcast %max3A_1449 : i32 to vector<16xi32>
      %max3A_1451 = arith.maxsi %sub3A_1448, %max3A_1450 : vector<16xi32>
      %broadcast_in_dim3A_1452 = vector.shape_cast %max3A_1451 : vector<16xi32> to vector<16x1xi32>
      %gather3A_1453 = vector.shape_cast %broadcast_in_dim3A_1452 : vector<16x1xi32> to vector<16xi32>
      %gather3A_1454 = tpu.dynamic_gather %add3A_1445[%gather3A_1453] in [0] : vector<16xf32>, vector<16xi32> -> vector<16xf32>
      %ge3A_1455 = arith.constant 8 : i32
      %ge3A_1456 = vector.broadcast %ge3A_1455 : i32 to vector<16xi32>
      %ge3A_1457 = arith.cmpi sge, %iota3A_1397, %ge3A_1456 : vector<16xi32>
      %jit3A_1458 = arith.constant 0.000000e+00 : f32
      %broadcast_in_dim3A_1459 = vector.broadcast %jit3A_1458 : f32 to vector<16xf32>
      %select_n3A_1460 = arith.select %ge3A_1457, %gather3A_1454, %broadcast_in_dim3A_1459 : vector<16xi1>, vector<16xf32>
      %add3A_1461 = arith.addf %add3A_1445, %select_n3A_1460 : vector<16xf32>
      %sub3A_1462 = arith.subf %add3A_1461, %select_n3A_1396 : vector<16xf32>
      %lt3A_1463 = arith.cmpf olt, %get3A_1363, %add3A_1354 : vector<16xf32>
      %jit3A_1464 = arith.constant 1.000000e+00 : f32
      %jit3A_1465 = arith.constant 0.000000e+00 : f32
      %broadcast_in_dim3A_1466 = vector.broadcast %jit3A_1464 : f32 to vector<16xf32>
      %broadcast_in_dim3A_1467 = vector.broadcast %jit3A_1465 : f32 to vector<16xf32>
      %select_n3A_1468 = arith.select %lt3A_1463, %broadcast_in_dim3A_1466, %broadcast_in_dim3A_1467 : vector<16xi1>, vector<16xf32>
      %add3A_1469 = arith.addf %sub3A_1462, %add3A_1357 : vector<16xf32>
      %lt3A_1470 = arith.constant 6.000000e+00 : f32
      %lt3A_1471 = vector.broadcast %lt3A_1470 : f32 to vector<16xf32>
      %lt3A_1472 = arith.cmpf olt, %add3A_1469, %lt3A_1471 : vector<16xf32>
      %jit3A_1473 = arith.constant 1.000000e+00 : f32
      %jit3A_1474 = arith.constant 0.000000e+00 : f32
      %broadcast_in_dim3A_1475 = vector.broadcast %jit3A_1473 : f32 to vector<16xf32>
      %broadcast_in_dim3A_1476 = vector.broadcast %jit3A_1474 : f32 to vector<16xf32>
      %select_n3A_1477 = arith.select %lt3A_1472, %broadcast_in_dim3A_1475, %broadcast_in_dim3A_1476 : vector<16xi1>, vector<16xf32>
      %mul3A_1478 = arith.mulf %select_n3A_1396, %select_n3A_1477 : vector<16xf32>
      %add3A_1479 = arith.addf %select_n3A_1468, %mul3A_1478 : vector<16xf32>
      %min3A_1480 = arith.constant 1.000000e+00 : f32
      %min3A_1481 = vector.broadcast %min3A_1480 : f32 to vector<16xf32>
      %min3A_1482 = arith.minimumf %add3A_1479, %min3A_1481 : vector<16xf32>
      %broadcast_in_dim3A_1483 = vector.broadcast %add3A_19 : i32 to vector<16xi32>
      %eq3A_1484 = arith.cmpi eq, %iota3A_1390, %broadcast_in_dim3A_1483 : vector<16xi32>
      %jit3A_1485 = arith.constant 1.000000e+00 : f32
      %jit3A_1486 = arith.constant 0.000000e+00 : f32
      %broadcast_in_dim3A_1487 = vector.broadcast %jit3A_1485 : f32 to vector<16xf32>
      %broadcast_in_dim3A_1488 = vector.broadcast %jit3A_1486 : f32 to vector<16xf32>
      %select_n3A_1489 = arith.select %eq3A_1484, %broadcast_in_dim3A_1487, %broadcast_in_dim3A_1488 : vector<16xi1>, vector<16xf32>
      %sub3A_1490 = arith.constant 1.000000e+00 : f32
      %sub3A_1491 = vector.broadcast %sub3A_1490 : f32 to vector<16xf32>
      %sub3A_1492 = arith.subf %sub3A_1491, %select_n3A_1489 : vector<16xf32>
      %sub3A_1493 = arith.constant 1.000000e+00 : f32
      %sub3A_1494 = vector.broadcast %sub3A_1493 : f32 to vector<16xf32>
      %sub3A_1495 = arith.subf %sub3A_1494, %min3A_1482 : vector<16xf32>
      %mul3A_1496 = arith.mulf %sub3A_1492, %sub3A_1495 : vector<16xf32>
      %iota3A_1497 = tpu.iota {dimensions = array<i32: 0>} : vector<16xi32>
      %sub3A_1498 = arith.constant 1 : i32
      %sub3A_1499 = vector.broadcast %sub3A_1498 : i32 to vector<16xi32>
      %sub3A_1500 = arith.subi %iota3A_1497, %sub3A_1499 : vector<16xi32>
      %max3A_1501 = arith.constant 0 : i32
      %max3A_1502 = vector.broadcast %max3A_1501 : i32 to vector<16xi32>
      %max3A_1503 = arith.maxsi %sub3A_1500, %max3A_1502 : vector<16xi32>
      %broadcast_in_dim3A_1504 = vector.shape_cast %max3A_1503 : vector<16xi32> to vector<16x1xi32>
      %gather3A_1505 = vector.shape_cast %broadcast_in_dim3A_1504 : vector<16x1xi32> to vector<16xi32>
      %gather3A_1506 = tpu.dynamic_gather %mul3A_1496[%gather3A_1505] in [0] : vector<16xf32>, vector<16xi32> -> vector<16xf32>
      %ge3A_1507 = arith.constant 1 : i32
      %ge3A_1508 = vector.broadcast %ge3A_1507 : i32 to vector<16xi32>
      %ge3A_1509 = arith.cmpi sge, %iota3A_1497, %ge3A_1508 : vector<16xi32>
      %jit3A_1510 = arith.constant 0.000000e+00 : f32
      %broadcast_in_dim3A_1511 = vector.broadcast %jit3A_1510 : f32 to vector<16xf32>
      %select_n3A_1512 = arith.select %ge3A_1509, %gather3A_1506, %broadcast_in_dim3A_1511 : vector<16xi1>, vector<16xf32>
      %add3A_1513 = arith.addf %mul3A_1496, %select_n3A_1512 : vector<16xf32>
      %sub3A_1514 = arith.constant 2 : i32
      %sub3A_1515 = vector.broadcast %sub3A_1514 : i32 to vector<16xi32>
      %sub3A_1516 = arith.subi %iota3A_1497, %sub3A_1515 : vector<16xi32>
      %max3A_1517 = arith.constant 0 : i32
      %max3A_1518 = vector.broadcast %max3A_1517 : i32 to vector<16xi32>
      %max3A_1519 = arith.maxsi %sub3A_1516, %max3A_1518 : vector<16xi32>
      %broadcast_in_dim3A_1520 = vector.shape_cast %max3A_1519 : vector<16xi32> to vector<16x1xi32>
      %gather3A_1521 = vector.shape_cast %broadcast_in_dim3A_1520 : vector<16x1xi32> to vector<16xi32>
      %gather3A_1522 = tpu.dynamic_gather %add3A_1513[%gather3A_1521] in [0] : vector<16xf32>, vector<16xi32> -> vector<16xf32>
      %ge3A_1523 = arith.constant 2 : i32
      %ge3A_1524 = vector.broadcast %ge3A_1523 : i32 to vector<16xi32>
      %ge3A_1525 = arith.cmpi sge, %iota3A_1497, %ge3A_1524 : vector<16xi32>
      %jit3A_1526 = arith.constant 0.000000e+00 : f32
      %broadcast_in_dim3A_1527 = vector.broadcast %jit3A_1526 : f32 to vector<16xf32>
      %select_n3A_1528 = arith.select %ge3A_1525, %gather3A_1522, %broadcast_in_dim3A_1527 : vector<16xi1>, vector<16xf32>
      %add3A_1529 = arith.addf %add3A_1513, %select_n3A_1528 : vector<16xf32>
      %sub3A_1530 = arith.constant 4 : i32
      %sub3A_1531 = vector.broadcast %sub3A_1530 : i32 to vector<16xi32>
      %sub3A_1532 = arith.subi %iota3A_1497, %sub3A_1531 : vector<16xi32>
      %max3A_1533 = arith.constant 0 : i32
      %max3A_1534 = vector.broadcast %max3A_1533 : i32 to vector<16xi32>
      %max3A_1535 = arith.maxsi %sub3A_1532, %max3A_1534 : vector<16xi32>
      %broadcast_in_dim3A_1536 = vector.shape_cast %max3A_1535 : vector<16xi32> to vector<16x1xi32>
      %gather3A_1537 = vector.shape_cast %broadcast_in_dim3A_1536 : vector<16x1xi32> to vector<16xi32>
      %gather3A_1538 = tpu.dynamic_gather %add3A_1529[%gather3A_1537] in [0] : vector<16xf32>, vector<16xi32> -> vector<16xf32>
      %ge3A_1539 = arith.constant 4 : i32
      %ge3A_1540 = vector.broadcast %ge3A_1539 : i32 to vector<16xi32>
      %ge3A_1541 = arith.cmpi sge, %iota3A_1497, %ge3A_1540 : vector<16xi32>
      %jit3A_1542 = arith.constant 0.000000e+00 : f32
      %broadcast_in_dim3A_1543 = vector.broadcast %jit3A_1542 : f32 to vector<16xf32>
      %select_n3A_1544 = arith.select %ge3A_1541, %gather3A_1538, %broadcast_in_dim3A_1543 : vector<16xi1>, vector<16xf32>
      %add3A_1545 = arith.addf %add3A_1529, %select_n3A_1544 : vector<16xf32>
      %sub3A_1546 = arith.constant 8 : i32
      %sub3A_1547 = vector.broadcast %sub3A_1546 : i32 to vector<16xi32>
      %sub3A_1548 = arith.subi %iota3A_1497, %sub3A_1547 : vector<16xi32>
      %max3A_1549 = arith.constant 0 : i32
      %max3A_1550 = vector.broadcast %max3A_1549 : i32 to vector<16xi32>
      %max3A_1551 = arith.maxsi %sub3A_1548, %max3A_1550 : vector<16xi32>
      %broadcast_in_dim3A_1552 = vector.shape_cast %max3A_1551 : vector<16xi32> to vector<16x1xi32>
      %gather3A_1553 = vector.shape_cast %broadcast_in_dim3A_1552 : vector<16x1xi32> to vector<16xi32>
      %gather3A_1554 = tpu.dynamic_gather %add3A_1545[%gather3A_1553] in [0] : vector<16xf32>, vector<16xi32> -> vector<16xf32>
      %ge3A_1555 = arith.constant 8 : i32
      %ge3A_1556 = vector.broadcast %ge3A_1555 : i32 to vector<16xi32>
      %ge3A_1557 = arith.cmpi sge, %iota3A_1497, %ge3A_1556 : vector<16xi32>
      %jit3A_1558 = arith.constant 0.000000e+00 : f32
      %broadcast_in_dim3A_1559 = vector.broadcast %jit3A_1558 : f32 to vector<16xf32>
      %select_n3A_1560 = arith.select %ge3A_1557, %gather3A_1554, %broadcast_in_dim3A_1559 : vector<16xi1>, vector<16xf32>
      %add3A_1561 = arith.addf %add3A_1545, %select_n3A_1560 : vector<16xf32>
      %le3A = arith.constant 5.000000e+00 : f32
      %le3A_1562 = vector.broadcast %le3A : f32 to vector<16xf32>
      %le3A_1563 = arith.cmpf ole, %add3A_1561, %le3A_1562 : vector<16xf32>
      %jit3A_1564 = arith.constant 1.000000e+00 : f32
      %jit3A_1565 = arith.constant 0.000000e+00 : f32
      %broadcast_in_dim3A_1566 = vector.broadcast %jit3A_1564 : f32 to vector<16xf32>
      %broadcast_in_dim3A_1567 = vector.broadcast %jit3A_1565 : f32 to vector<16xf32>
      %select_n3A_1568 = arith.select %le3A_1563, %broadcast_in_dim3A_1566, %broadcast_in_dim3A_1567 : vector<16xi1>, vector<16xf32>
      %mul3A_1569 = arith.mulf %mul3A_1496, %select_n3A_1568 : vector<16xf32>
      %mul3A_1570 = arith.mulf %mul3A_1569, %mul3A_1389 : vector<16xf32>
      %iota3A_1571 = tpu.iota {dimensions = array<i32: 0>} : vector<16xi32>
      %add3A_1572 = arith.constant 8 : i32
      %add3A_1573 = vector.broadcast %add3A_1572 : i32 to vector<16xi32>
      %add3A_1574 = arith.addi %iota3A_1571, %add3A_1573 : vector<16xi32>
      %and3A_1575 = arith.constant 15 : i32
      %and3A_1576 = vector.broadcast %and3A_1575 : i32 to vector<16xi32>
      %and3A_1577 = arith.andi %add3A_1574, %and3A_1576 : vector<16xi32>
      %broadcast_in_dim3A_1578 = vector.shape_cast %and3A_1577 : vector<16xi32> to vector<16x1xi32>
      %gather3A_1579 = vector.shape_cast %broadcast_in_dim3A_1578 : vector<16x1xi32> to vector<16xi32>
      %gather3A_1580 = tpu.dynamic_gather %mul3A_1570[%gather3A_1579] in [0] : vector<16xf32>, vector<16xi32> -> vector<16xf32>
      %add3A_1581 = arith.addf %mul3A_1570, %gather3A_1580 : vector<16xf32>
      %iota3A_1582 = tpu.iota {dimensions = array<i32: 0>} : vector<16xi32>
      %add3A_1583 = arith.constant 4 : i32
      %add3A_1584 = vector.broadcast %add3A_1583 : i32 to vector<16xi32>
      %add3A_1585 = arith.addi %iota3A_1582, %add3A_1584 : vector<16xi32>
      %and3A_1586 = arith.constant 15 : i32
      %and3A_1587 = vector.broadcast %and3A_1586 : i32 to vector<16xi32>
      %and3A_1588 = arith.andi %add3A_1585, %and3A_1587 : vector<16xi32>
      %broadcast_in_dim3A_1589 = vector.shape_cast %and3A_1588 : vector<16xi32> to vector<16x1xi32>
      %gather3A_1590 = vector.shape_cast %broadcast_in_dim3A_1589 : vector<16x1xi32> to vector<16xi32>
      %gather3A_1591 = tpu.dynamic_gather %add3A_1581[%gather3A_1590] in [0] : vector<16xf32>, vector<16xi32> -> vector<16xf32>
      %add3A_1592 = arith.addf %add3A_1581, %gather3A_1591 : vector<16xf32>
      %iota3A_1593 = tpu.iota {dimensions = array<i32: 0>} : vector<16xi32>
      %add3A_1594 = arith.constant 2 : i32
      %add3A_1595 = vector.broadcast %add3A_1594 : i32 to vector<16xi32>
      %add3A_1596 = arith.addi %iota3A_1593, %add3A_1595 : vector<16xi32>
      %and3A_1597 = arith.constant 15 : i32
      %and3A_1598 = vector.broadcast %and3A_1597 : i32 to vector<16xi32>
      %and3A_1599 = arith.andi %add3A_1596, %and3A_1598 : vector<16xi32>
      %broadcast_in_dim3A_1600 = vector.shape_cast %and3A_1599 : vector<16xi32> to vector<16x1xi32>
      %gather3A_1601 = vector.shape_cast %broadcast_in_dim3A_1600 : vector<16x1xi32> to vector<16xi32>
      %gather3A_1602 = tpu.dynamic_gather %add3A_1592[%gather3A_1601] in [0] : vector<16xf32>, vector<16xi32> -> vector<16xf32>
      %add3A_1603 = arith.addf %add3A_1592, %gather3A_1602 : vector<16xf32>
      %iota3A_1604 = tpu.iota {dimensions = array<i32: 0>} : vector<16xi32>
      %add3A_1605 = arith.constant 1 : i32
      %add3A_1606 = vector.broadcast %add3A_1605 : i32 to vector<16xi32>
      %add3A_1607 = arith.addi %iota3A_1604, %add3A_1606 : vector<16xi32>
      %and3A_1608 = arith.constant 15 : i32
      %and3A_1609 = vector.broadcast %and3A_1608 : i32 to vector<16xi32>
      %and3A_1610 = arith.andi %add3A_1607, %and3A_1609 : vector<16xi32>
      %broadcast_in_dim3A_1611 = vector.shape_cast %and3A_1610 : vector<16xi32> to vector<16x1xi32>
      %gather3A_1612 = vector.shape_cast %broadcast_in_dim3A_1611 : vector<16x1xi32> to vector<16xi32>
      %gather3A_1613 = tpu.dynamic_gather %add3A_1603[%gather3A_1612] in [0] : vector<16xf32>, vector<16xi32> -> vector<16xf32>
      %add3A_1614 = arith.addf %add3A_1603, %gather3A_1613 : vector<16xf32>
      %div3A_1615 = arith.constant 5.000000e+00 : f32
      %div3A_1616 = vector.broadcast %div3A_1615 : f32 to vector<16xf32>
      %div3A_1617 = arith.divf %sub3A_1359, %div3A_1616 : vector<16xf32>
      %div3A_1618 = arith.constant 5.000000e+00 : f32
      %div3A_1619 = vector.broadcast %div3A_1618 : f32 to vector<16xf32>
      %div3A_1620 = arith.divf %add3A_1614, %div3A_1619 : vector<16xf32>
      %sub3A_1621 = arith.subf %div3A_1617, %div3A_1620 : vector<16xf32>
      %add3A_1622 = arith.constant 1.000000e-01 : f32
      %add3A_1623 = vector.broadcast %add3A_1622 : f32 to vector<16xf32>
      %add3A_1624 = arith.addf %sub3A_1621, %add3A_1623 : vector<16xf32>
      %max3A_1625 = arith.constant 0.000000e+00 : f32
      %max3A_1626 = vector.broadcast %max3A_1625 : f32 to vector<16xf32>
      %max3A_1627 = arith.maximumf %add3A_1624, %max3A_1626 : vector<16xf32>
      %add3A_1628 = arith.addf %scan3A_18, %max3A_1627 : vector<16xf32>
      scf.yield %add3A_1628 : vector<16xf32>
    }
    %scan3A_10 = arith.constant 64 : i32
    %mul3A_11 = arith.constant 6.250000e-02 : f32
    %mul3A_12 = vector.broadcast %mul3A_11 : f32 to vector<16xf32>
    %mul3A_13 = arith.mulf %scan3A_9, %mul3A_12 : vector<16xf32>
    %swap3A = arith.constant 0 : index
    %swap3A_14 = tpu.vector_load %arg5[%swap3A] {strides = array<i32>} : memref<16xf32, #tpu.memory_space<vmem>>, vector<16xf32>,
    %swap3A_15 = vector.shape_cast %swap3A_14 : vector<16xf32> to vector<16xf32>
    %swap3A_16 = vector.shape_cast %mul3A_13 : vector<16xf32> to vector<16xf32>
    tpu.vector_store %arg5[%swap3A], %swap3A_16 {strides = array<i32>} : memref<16xf32, #tpu.memory_space<vmem>>, vector<16xf32>,
    "tpu.region"() ({
      %run_scoped3A = tpu.sem_alloc : memref<!tpu.dma_semaphore, #tpu.memory_space<semaphore_mem>>
      %dma_start3A = arith.constant 0 : i32
      %dma_start3A_17 = tpu.memref_slice %arg3[%add3A, %dma_start3A] : memref<32x16xf32, #tpu.memory_space<hbm>> -> memref<1x16xf32, #tpu.memory_space<hbm>>
      %dma_start3A_18 = tpu.memref_squeeze %dma_start3A_17 : memref<1x16xf32, #tpu.memory_space<hbm>> -> memref<16xf32, #tpu.memory_space<hbm>>
      %dma_start3A_19 = arith.constant 0 : i32
      %dma_start3A_20 = tpu.memref_slice %arg3[%add3A, %dma_start3A_19] : memref<32x16xf32, #tpu.memory_space<hbm>> -> memref<1x16xf32, #tpu.memory_space<hbm>>
      %dma_start3A_21 = tpu.memref_squeeze %dma_start3A_20 : memref<1x16xf32, #tpu.memory_space<hbm>> -> memref<16xf32, #tpu.memory_space<hbm>>
      tpu.enqueue_dma source(%arg5 : memref<16xf32, #tpu.memory_space<vmem>>) target(%dma_start3A_21 : memref<16xf32, #tpu.memory_space<hbm>>) target_semaphore(%run_scoped3A : memref<!tpu.dma_semaphore, #tpu.memory_space<semaphore_mem>>)
      %dma_wait3A = arith.constant 0 : i32
      %dma_wait3A_22 = tpu.memref_slice %arg3[%add3A, %dma_wait3A] : memref<32x16xf32, #tpu.memory_space<hbm>> -> memref<1x16xf32, #tpu.memory_space<hbm>>
      %dma_wait3A_23 = tpu.memref_squeeze %dma_wait3A_22 : memref<1x16xf32, #tpu.memory_space<hbm>> -> memref<16xf32, #tpu.memory_space<hbm>>
      %dma_wait3A_24 = arith.constant 0 : i32
      %dma_wait3A_25 = tpu.memref_slice %arg3[%add3A, %dma_wait3A_24] : memref<32x16xf32, #tpu.memory_space<hbm>> -> memref<1x16xf32, #tpu.memory_space<hbm>>
      %dma_wait3A_26 = tpu.memref_squeeze %dma_wait3A_25 : memref<1x16xf32, #tpu.memory_space<hbm>> -> memref<16xf32, #tpu.memory_space<hbm>>
      tpu.wait_dma2 semaphore(%run_scoped3A : memref<!tpu.dma_semaphore, #tpu.memory_space<semaphore_mem>>) src(%arg5 : memref<16xf32, #tpu.memory_space<vmem>>) dst(%dma_wait3A_26 : memref<16xf32, #tpu.memory_space<hbm>>)
      tpu.yield
    }) : () -> ()
    return
  }
}

module attributes {stable_mosaic.version = 14 : i64} {
  func.func @_sq_kernel(%arg0: i32, %arg1: memref<1024x512xf32, #tpu.memory_space<vmem>>, %arg2: memref<1024x512xf32, #tpu.memory_space<vmem>>, %arg3: memref<1024x512xf32, #tpu.memory_space<vmem>>, %arg4: memref<1024x512xf32, #tpu.memory_space<vmem>>, %arg5: memref<2048x512xf32, #tpu.memory_space<vmem>>, %arg6: memref<1024x2048xf32, #tpu.memory_space<vmem>>, %arg7: memref<1x1xf32, #tpu.memory_space<vmem>>, %arg8: memref<2048x514xf32, #tpu.memory_space<vmem>>) attributes {dimension_semantics = [#tpu.dimension_semantics<arbitrary>], iteration_bounds = array<i64: 2>, scalar_prefetch = 0 : i64, scratch_operands = 1 : i64, tpu.core_type = #tpu.core_type<tc>, window_params = [{transform_indices = @transform_0, window_bounds = array<i64: 1024, 512>}, {transform_indices = @transform_1, window_bounds = array<i64: 1024, 512>}, {transform_indices = @transform_2, window_bounds = array<i64: 1024, 512>}, {transform_indices = @transform_3, window_bounds = array<i64: 1024, 512>}, {pipeline_mode = #tpu.pipeline_mode<synchronous>, transform_indices = @transform_4, window_bounds = array<i64: 2048, 512>}, {transform_indices = @transform_5, window_bounds = array<i64: 1024, 2048>}, {pipeline_mode = #tpu.pipeline_mode<synchronous>, transform_indices = @transform_6, window_bounds = array<i64: 1, 1>}]} {
    %broadcast_in_dim3A = arith.constant 1.000000e+00 : f32
    %broadcast_in_dim3A_0 = vector.broadcast %broadcast_in_dim3A : f32 to vector<512x1xf32>
    %eq3A = arith.constant 0 : i32
    %eq3A_1 = arith.cmpi eq, %arg0, %eq3A : i32
    %convert_element_type3A = arith.extui %eq3A_1 : i1 to i32
    %cond3A = arith.constant 0 : i32
    %cond3A_2 = arith.cmpi ne, %convert_element_type3A, %cond3A : i32
    scf.if %cond3A_2 {
      %broadcast_in_dim3A_55 = arith.constant 0.000000e+00 : f32
      %broadcast_in_dim3A_56 = vector.broadcast %broadcast_in_dim3A_55 : f32 to vector<1x1xf32>
      %swap3A_57 = arith.constant 0 : index
      %swap3A_58 = arith.constant 0 : index
      %swap3A_59 = vector.load %arg7[%swap3A_57, %swap3A_58] : memref<1x1xf32, #tpu.memory_space<vmem>>, vector<1x1xf32>
      tpu.vector_store %arg7[%swap3A_57, %swap3A_58], %broadcast_in_dim3A_56 {strides = array<i32>} : memref<1x1xf32, #tpu.memory_space<vmem>>, vector<1x1xf32>,
      %get3A_60 = arith.constant 0 : index
      %get3A_61 = arith.constant 0 : index
      %get3A_62 = vector.load %arg5[%get3A_60, %get3A_61] : memref<2048x512xf32, #tpu.memory_space<vmem>>, vector<2048x512xf32>
      %mul3A_63 = arith.mulf %get3A_62, %get3A_62 : vector<2048x512xf32>
      %dot_general3A_64 = arith.constant dense<0.000000e+00> : vector<2048x1xf32>
      %dot_general3A_65 = tpu.matmul %mul3A_63, %broadcast_in_dim3A_0, %dot_general3A_64 {dimension_numbers = #tpu.dot_dimension_numbers<[1], [0], [0], [1], [0, 0, 1, 1], [], []>, transpose_lhs_hint = false} : vector<2048x512xf32>, vector<512x1xf32>, vector<2048x1xf32> -> vector<2048x1xf32>
      %mul3A_66 = arith.constant -2.000000e+00 : f32
      %mul3A_67 = vector.broadcast %mul3A_66 : f32 to vector<2048x512xf32>
      %mul3A_68 = arith.mulf %get3A_62, %mul3A_67 : vector<2048x512xf32>
      %swap3A_69 = arith.constant 0 : index
      %swap3A_70 = arith.constant 0 : index
      %swap3A_71 = vector.load %arg8[%swap3A_69, %swap3A_70] : memref<2048x514xf32, #tpu.memory_space<vmem>>, vector<2048x512xf32>
      tpu.vector_store %arg8[%swap3A_69, %swap3A_70], %mul3A_68 {strides = array<i32>} : memref<2048x514xf32, #tpu.memory_space<vmem>>, vector<2048x512xf32>,
      %swap3A_72 = arith.constant 0 : index
      %swap3A_73 = arith.constant 512 : index
      %swap3A_74 = vector.load %arg8[%swap3A_72, %swap3A_73] : memref<2048x514xf32, #tpu.memory_space<vmem>>, vector<2048x1xf32>
      tpu.vector_store %arg8[%swap3A_72, %swap3A_73], %dot_general3A_65 {strides = array<i32>} : memref<2048x514xf32, #tpu.memory_space<vmem>>, vector<2048x1xf32>,
      %broadcast_in_dim3A_75 = arith.constant 1.000000e+00 : f32
      %broadcast_in_dim3A_76 = vector.broadcast %broadcast_in_dim3A_75 : f32 to vector<2048x1xf32>
      %swap3A_77 = arith.constant 0 : index
      %swap3A_78 = arith.constant 513 : index
      %swap3A_79 = vector.load %arg8[%swap3A_77, %swap3A_78] : memref<2048x514xf32, #tpu.memory_space<vmem>>, vector<2048x1xf32>
      tpu.vector_store %arg8[%swap3A_77, %swap3A_78], %broadcast_in_dim3A_76 {strides = array<i32>} : memref<2048x514xf32, #tpu.memory_space<vmem>>, vector<2048x1xf32>,
    } else {
    }
    %get3A = arith.constant 0 : index
    %get3A_3 = arith.constant 0 : index
    %get3A_4 = vector.load %arg1[%get3A, %get3A_3] : memref<1024x512xf32, #tpu.memory_space<vmem>>, vector<1024x512xf32>
    %get3A_5 = arith.constant 0 : index
    %get3A_6 = arith.constant 0 : index
    %get3A_7 = vector.load %arg2[%get3A_5, %get3A_6] : memref<1024x512xf32, #tpu.memory_space<vmem>>, vector<1024x512xf32>
    %sub3A = arith.subf %get3A_4, %get3A_7 : vector<1024x512xf32>
    %add3A = arith.constant 9.99999997E-7 : f32
    %add3A_8 = vector.broadcast %add3A : f32 to vector<1024x512xf32>
    %add3A_9 = arith.addf %sub3A, %add3A_8 : vector<1024x512xf32>
    %get3A_10 = arith.constant 0 : index
    %get3A_11 = arith.constant 0 : index
    %get3A_12 = vector.load %arg3[%get3A_10, %get3A_11] : memref<1024x512xf32, #tpu.memory_space<vmem>>, vector<1024x512xf32>
    %sub3A_13 = arith.subf %get3A_4, %get3A_12 : vector<1024x512xf32>
    %add3A_14 = arith.constant 9.99999997E-7 : f32
    %add3A_15 = vector.broadcast %add3A_14 : f32 to vector<1024x512xf32>
    %add3A_16 = arith.addf %sub3A_13, %add3A_15 : vector<1024x512xf32>
    %mul3A = arith.mulf %add3A_9, %add3A_9 : vector<1024x512xf32>
    %dot_general3A = arith.constant dense<0.000000e+00> : vector<1024x1xf32>
    %dot_general3A_17 = tpu.matmul %mul3A, %broadcast_in_dim3A_0, %dot_general3A {dimension_numbers = #tpu.dot_dimension_numbers<[1], [0], [0], [1], [0, 0, 1, 1], [], []>, transpose_lhs_hint = false} : vector<1024x512xf32>, vector<512x1xf32>, vector<1024x1xf32> -> vector<1024x1xf32>
    %sqrt3A = math.sqrt %dot_general3A_17 : vector<1024x1xf32>
    %mul3A_18 = arith.mulf %add3A_16, %add3A_16 : vector<1024x512xf32>
    %dot_general3A_19 = arith.constant dense<0.000000e+00> : vector<1024x1xf32>
    %dot_general3A_20 = tpu.matmul %mul3A_18, %broadcast_in_dim3A_0, %dot_general3A_19 {dimension_numbers = #tpu.dot_dimension_numbers<[1], [0], [0], [1], [0, 0, 1, 1], [], []>, transpose_lhs_hint = false} : vector<1024x512xf32>, vector<512x1xf32>, vector<1024x1xf32> -> vector<1024x1xf32>
    %sqrt3A_21 = math.sqrt %dot_general3A_20 : vector<1024x1xf32>
    %get3A_22 = arith.constant 0 : index
    %get3A_23 = arith.constant 0 : index
    %get3A_24 = vector.load %arg7[%get3A_22, %get3A_23] : memref<1x1xf32, #tpu.memory_space<vmem>>, vector<1x1xf32>
    %sub3A_25 = arith.subf %sqrt3A, %sqrt3A_21 : vector<1024x1xf32>
    %add3A_26 = arith.constant 1.000000e+00 : f32
    %add3A_27 = vector.broadcast %add3A_26 : f32 to vector<1024x1xf32>
    %add3A_28 = arith.addf %sub3A_25, %add3A_27 : vector<1024x1xf32>
    %max3A = arith.constant 0.000000e+00 : f32
    %max3A_29 = vector.broadcast %max3A : f32 to vector<1024x1xf32>
    %max3A_30 = arith.maximumf %add3A_28, %max3A_29 : vector<1024x1xf32>
    %reduce_sum3A = vector.shape_cast %max3A_30 : vector<1024x1xf32> to vector<1x1024x1xf32>
    %reduce_sum3A_31 = arith.constant dense<0.000000e+00> : vector<1xf32>
    %reduce_sum3A_32 = vector.multi_reduction <add>, %reduce_sum3A, %reduce_sum3A_31 [1, 2] : vector<1x1024x1xf32> to vector<1xf32>
    %reduce_sum3A_33 = vector.shape_cast %reduce_sum3A_32 : vector<1xf32> to vector<1x1x1xf32>
    %reduce_sum3A_34 = vector.extract %reduce_sum3A_33[0, 0, 0] : f32 from vector<1x1x1xf32>
    %broadcast_in_dim3A_35 = vector.broadcast %reduce_sum3A_34 : f32 to vector<1x1xf32>
    %add3A_36 = arith.addf %get3A_24, %broadcast_in_dim3A_35 : vector<1x1xf32>
    %swap3A = arith.constant 0 : index
    %swap3A_37 = arith.constant 0 : index
    %swap3A_38 = vector.load %arg7[%swap3A, %swap3A_37] : memref<1x1xf32, #tpu.memory_space<vmem>>, vector<1x1xf32>
    tpu.vector_store %arg7[%swap3A, %swap3A_37], %add3A_36 {strides = array<i32>} : memref<1x1xf32, #tpu.memory_space<vmem>>, vector<1x1xf32>,
    %get3A_39 = arith.constant 0 : index
    %get3A_40 = arith.constant 0 : index
    %get3A_41 = vector.load %arg4[%get3A_39, %get3A_40] : memref<1024x512xf32, #tpu.memory_space<vmem>>, vector<1024x512xf32>
    %mul3A_42 = arith.mulf %get3A_41, %get3A_41 : vector<1024x512xf32>
    %dot_general3A_43 = arith.constant dense<0.000000e+00> : vector<1024x1xf32>
    %dot_general3A_44 = tpu.matmul %mul3A_42, %broadcast_in_dim3A_0, %dot_general3A_43 {dimension_numbers = #tpu.dot_dimension_numbers<[1], [0], [0], [1], [0, 0, 1, 1], [], []>, transpose_lhs_hint = false} : vector<1024x512xf32>, vector<512x1xf32>, vector<1024x1xf32> -> vector<1024x1xf32>
    %broadcast_in_dim3A_45 = arith.constant 1.000000e+00 : f32
    %broadcast_in_dim3A_46 = vector.broadcast %broadcast_in_dim3A_45 : f32 to vector<1024x1xf32>
    %concatenate3A = tpu.concatenate %get3A_41, %broadcast_in_dim3A_46, %dot_general3A_44 in 1 : vector<1024x512xf32>, vector<1024x1xf32>, vector<1024x1xf32> -> vector<1024x514xf32>
    %get3A_47 = arith.constant 0 : index
    %get3A_48 = arith.constant 0 : index
    %get3A_49 = vector.load %arg8[%get3A_47, %get3A_48] : memref<2048x514xf32, #tpu.memory_space<vmem>>, vector<2048x514xf32>
    %dot_general3A_50 = arith.constant dense<0.000000e+00> : vector<1024x2048xf32>
    %dot_general3A_51 = tpu.matmul %concatenate3A, %get3A_49, %dot_general3A_50 {dimension_numbers = #tpu.dot_dimension_numbers<[1], [1], [0], [0], [0, 0, 1, 0], [], []>, transpose_lhs_hint = false} : vector<1024x514xf32>, vector<2048x514xf32>, vector<1024x2048xf32> -> vector<1024x2048xf32>
    %swap3A_52 = arith.constant 0 : index
    %swap3A_53 = arith.constant 0 : index
    %swap3A_54 = vector.load %arg6[%swap3A_52, %swap3A_53] : memref<1024x2048xf32, #tpu.memory_space<vmem>>, vector<1024x2048xf32>
    tpu.vector_store %arg6[%swap3A_52, %swap3A_53], %dot_general3A_51 {strides = array<i32>} : memref<1024x2048xf32, #tpu.memory_space<vmem>>, vector<1024x2048xf32>,
    return
  }
  func.func @transform_0(%arg0: i32) -> (i32, i32) {
    %c0_i32 = arith.constant 0 : i32
    %c0_i32_0 = arith.constant 0 : i32
    return %arg0, %c0_i32 : i32, i32
  }
  func.func @transform_1(%arg0: i32) -> (i32, i32) {
    %c0_i32 = arith.constant 0 : i32
    %c0_i32_0 = arith.constant 0 : i32
    return %arg0, %c0_i32 : i32, i32
  }
  func.func @transform_2(%arg0: i32) -> (i32, i32) {
    %c0_i32 = arith.constant 0 : i32
    %c0_i32_0 = arith.constant 0 : i32
    return %arg0, %c0_i32 : i32, i32
  }
  func.func @transform_3(%arg0: i32) -> (i32, i32) {
    %c0_i32 = arith.constant 0 : i32
    %c0_i32_0 = arith.constant 0 : i32
    return %arg0, %c0_i32 : i32, i32
  }
  func.func @transform_4(%arg0: i32) -> (i32, i32) {
    %c0_i32 = arith.constant 0 : i32
    %c0_i32_0 = arith.constant 0 : i32
    %c0_i32_1 = arith.constant 0 : i32
    return %c0_i32, %c0_i32_0 : i32, i32
  }
  func.func @transform_5(%arg0: i32) -> (i32, i32) {
    %c0_i32 = arith.constant 0 : i32
    %c0_i32_0 = arith.constant 0 : i32
    return %arg0, %c0_i32 : i32, i32
  }
  func.func @transform_6(%arg0: i32) -> (i32, i32) {
    %c0_i32 = arith.constant 0 : i32
    %c0_i32_0 = arith.constant 0 : i32
    %c0_i32_1 = arith.constant 0 : i32
    return %c0_i32, %c0_i32_0 : i32, i32
  }
}

</mosaic_0001>

<sc_bundles>
// kernel: kernel.4.cloned.1.call-start
scs
__scs_entry_jumppad:
0x0: {  	(pc) =	sbr.rel $0x88, $3  }
0x1: {  	(tag) =	ssettag $0x0;
	lr =	simm.s32 $0x1  }
0x2: {  	[smem:$0x3F9D] =	sst lr;
	_ =	strace $0xD0000000  }
0x3: {  	_ = 	snop  }
0x4: {  	_ = 	snop  }
0x5: {  	_ = 	snop  }
0x6: {  	_ = 	snop  }
0x7: {  	_ = 	snop  }
__scs_overlays_trampoline_lowered:
0x8: {  	[smem:$0x3FAC] =	sst s0  }
0x9: {  	[smem:$0x3FAD] =	sst s1  }
0xa: {  	[smem:$0x3FAE] =	sst s2  }
0xb: {  	[smem:$0x3FAF] =	sst s3  }
0xc: {  	[smem:$0x3FB0] =	sst s4  }
0xd: {  	[smem:$0x3FB1] =	sst s5  }
0xe: {  	[smem:$0x3FB2] =	sst s6  }
0xf: {  	[smem:$0x3FB3] =	sst s7  }
0x10: {  	[smem:$0x3FB4] =	sst s8  }
0x11: {  	[smem:$0x3FB5] =	sst s9;
	s0 =	simm.s32 @!p0 $0x0  }
0x12: {  	s1 =	sld [smem:$0x3F9B];
	s0 =	simm.s32 @p0 $0x1  }
0x13: {  	[smem:$0x3FB6] =	sst s0;
	s0 =	simm.s32 @!p1 $0x0  }
0x14: {  	s2 =	sld [smem:$0x3F9A];
	s0 =	simm.s32 @p1 $0x1  }
0x15: {  	[smem:$0x3FB7] =	sst s0;
	s0 =	simm.s32 @!p2 $0x0  }
0x16: {  	s3 =	sld [smem:$0x3FDB];
	s0 =	simm.s32 @p2 $0x1  }
0x17: {  	s4 =	simm.s32 $0x1BF5;
	[smem:$0x3FB9] =	sst s0  }
0x18: {  	s0 =	sld [smem:$0x3F9C];
	_ =	swait.ge [sflag:s4], $0x0  }
0x19: {  	s7 =	sld [smem:$0x3F9D]  }
0x1a: {  	s8 =	sadd.s32 $0xFFFFE003, lr  }
0x1b: {  	s9 =	sadd.s32 $0xFFFFFEF7, lr;
	s5 =	simm.s32 $0xFFFFFFFF;
	p2 =	slt.u32 s8, $0xFFFFF086  }
0x1c: {  	p1 =	slt.u32 s9, $0xF7A;
	s5 =	simm.s32 @!p2 $0x0  }
0x1d: {  	s5 =	simm.s32 @p1 $0x1;
	p0 =	seq.s32 s7, s2  }
0x1e: {  	s7 =	smul.u32 @!p0 $0xF7A, s2;
	p2 =	seq.s32 @!p0 s5, $0x0  }
0x1f: {  	s9 =	smul.u32 $0xF7A, s1;
	s8 =	simm.s32 @!p0 $0x1BF5;
	p2 =	por !p2, p0  }
0x20: {  	[sflag:s8] =	ssyncset.s32 @!p0 $0xFFFFF086;
	s6 =	sadd.s32 @!p0 s3, s7;
	s7 =	simm.s32 @!p0 $0x108  }
0x21: {  	s3 =	sadd.s32 s3, s9;
	s6 =	sadd.s32 @!p0 $0x88, s6;
	s7 =	simm.s32 @p2 $0x1082  }
0x22: {  	[simem:s7], [sflag:s8] =	dma.local @!p0 [hbm:s6], $0xF7A  }
0x23: {  	s9 =	sor.u32 $0xD0000000, s2;
	s6 =	simm.s32 $0x108;
	_ =	swait.ge @!p0 [sflag:s8], $0x0  }
0x24: {  	s3 =	sadd.s32 $0x88, s3;
	s6 =	simm.s32 @!p1 $0x1082;
	[sflag:s4] =	ssyncset.s32 $0xFFFFF086  }
0x25: {  	[simem:s6], [sflag:s4] =	dma.local [hbm:s3], $0xF7A  }
0x26: {  	[smem:$0x3F9D] =	sst s1;
	(tag) =	ssettag s2;
	_ =	strace s9  }
0x27: {  	s1 =	sld [smem:$0x3FAD]  }
0x28: {  	s2 =	sld [smem:$0x3FAE]  }
0x29: {  	s4 =	sld [smem:$0x3FB0]  }
0x2a: {  	p0 =	seq.s32 s5, $0x0;
	s5 =	sld [smem:$0x3FB1]  }
0x2b: {  	s6 =	sld [smem:$0x3FB2]  }
0x2c: {  	s7 =	sld [smem:$0x3FB3]  }
0x2d: {  	s3 =	simm.s32 $0x108;
	s8 =	sld [smem:$0x3FB4]  }
0x2e: {  	s3 =	simm.s32 @!p0 $0x1082;
	s9 =	sld [smem:$0x3FB5]  }
0x2f: {  	lr =	sadd.s32 s0, s3;
	s0 =	sld [smem:$0x3FAC]  }
0x30: {  	s3 =	sld [smem:$0x3FAF]  }
0x31: {  	[smem:$0x3FB8] =	sst s10  }
0x32: {  	s10 =	sld [smem:$0x3FB6];
	_ =	sdelay $0x3  }
0x33: {  	p0 =	seq.s32 s10, $0x1;
	s10 =	sld [smem:$0x3FB8];
	_ =	sdelay $0x3  }
0x34: {  	[smem:$0x3FB8] =	sst s10  }
0x35: {  	s10 =	sld [smem:$0x3FB7];
	_ =	sdelay $0x3  }
0x36: {  	p1 =	seq.s32 s10, $0x1;
	s10 =	sld [smem:$0x3FB8];
	_ =	sdelay $0x3  }
0x37: {  	[smem:$0x3FB8] =	sst s10  }
0x38: {  	s10 =	sld [smem:$0x3FB9]  }
0x39: {  	_ = 	snop;
	(pc) =	sbr.ind lr, $3  }
0x3a: {  	_ = 	snop  }
0x3b: {  	_ = 	snop  }
0x3c: {  	p2 =	seq.s32 s10, $0x1;
	s10 =	sld [smem:$0x3FB8]  }
0x3d: {  	_ =	shalt  }
0x3e: {  	_ =	shalt  }
0x3f: {  	_ =	shalt  }
0x40: {  	_ =	shalt  }
0x41: {  	_ =	shalt  }
0x42: {  	_ =	shalt  }
0x43: {  	_ =	shalt  }
0x44: {  	_ =	shalt  }
0x45: {  	_ =	shalt  }
0x46: {  	_ =	shalt  }
0x47: {  	_ =	shalt  }
0x48: {  	_ =	shalt  }
0x49: {  	_ =	shalt  }
0x4a: {  	_ =	shalt  }
0x4b: {  	_ =	shalt  }
0x4c: {  	_ =	shalt  }
0x4d: {  	_ =	shalt  }
0x4e: {  	_ =	shalt  }
0x4f: {  	_ =	shalt  }
0x50: {  	_ =	shalt  }
0x51: {  	_ =	shalt  }
0x52: {  	_ =	shalt  }
0x53: {  	_ =	shalt  }
0x54: {  	_ =	shalt  }
0x55: {  	_ =	shalt  }
0x56: {  	_ =	shalt  }
0x57: {  	_ =	shalt  }
0x58: {  	_ =	shalt  }
0x59: {  	_ =	shalt  }
0x5a: {  	_ =	shalt  }
0x5b: {  	_ =	shalt  }
0x5c: {  	_ =	shalt  }
0x5d: {  	_ =	shalt  }
0x5e: {  	_ =	shalt  }
0x5f: {  	_ =	shalt  }
0x60: {  	_ =	shalt  }
0x61: {  	_ =	shalt  }
0x62: {  	_ =	shalt  }
0x63: {  	_ =	shalt  }
0x64: {  	_ =	shalt  }
0x65: {  	_ =	shalt  }
0x66: {  	_ =	shalt  }
0x67: {  	_ =	shalt  }
0x68: {  	_ =	shalt  }
0x69: {  	_ =	shalt  }
0x6a: {  	_ =	shalt  }
0x6b: {  	_ =	shalt  }
0x6c: {  	_ =	shalt  }
0x6d: {  	_ =	shalt  }
0x6e: {  	_ =	shalt  }
0x6f: {  	_ =	shalt  }
0x70: {  	_ =	shalt  }
0x71: {  	_ =	shalt  }
0x72: {  	_ =	shalt  }
0x73: {  	_ =	shalt  }
0x74: {  	_ =	shalt  }
0x75: {  	_ =	shalt  }
0x76: {  	_ =	shalt  }
0x77: {  	_ =	shalt  }
0x78: {  	_ =	shalt  }
0x79: {  	_ =	shalt  }
0x7a: {  	_ =	shalt  }
0x7b: {  	_ =	shalt  }
0x7c: {  	_ =	shalt  }
0x7d: {  	_ =	shalt  }
0x7e: {  	_ =	shalt  }
0x7f: {  	_ =	shalt  }
0x80: {  	_ =	shalt  }
0x81: {  	_ =	shalt  }
0x82: {  	_ =	shalt  }
0x83: {  	_ =	shalt  }
0x84: {  	_ =	shalt  }
0x85: {  	_ =	shalt  }
0x86: {  	_ =	shalt  }
0x87: {  	_ =	shalt  }
.Lfunc_end0:
.L_simem_size_0:
called_computation_lowered:
.L_overlay_start_0:
0x88: {  	s2 =	sld [smem:$0x3FD9]  }
0x89: {  	s3 =	sld [smem:$0x3FFE];
	_ =	sdelay $0x1  }
0x8a: {  	s1 =	srdreg.scid  }
0x8b: {  	s0 =	sand.u32 $0x1, s1  }
0x8c: {  	s16 =	sshll.u32 s0, $0xA;
	s2 =	sadd.s32 s3, s2  }
0x8d: {  	s2 =	sadd.s32 s2, s16  }
0x8e: {  	[smem:$0x3FC4] =	sst s2  }
0x8f: {  	_ = 	snop  }
0x90: {  	(tm) =	ssettm $0x1  }
0x91: {  	s17 =	sld [smem:$0x3FFB];
	_ =	sdelay $0x3  }
0x92: {  	_ =	strace s17  }
0x93: {  	s2 =	sld [smem:$0x3FFC];
	_ =	sdelay $0x3  }
0x94: {  	_ =	strace s2  }
0x95: {  	s2 =	sld [smem:$0x3FFD];
	_ =	sdelay $0x3  }
0x96: {  	_ =	strace s2  }
0x97: {  	_ =	strace $0x8FFFFFFF  }
0x98: {  	s18 =	sld [smem:$0x3FDB];
	_ =	sdelay $0x1  }
0x99: {  	s19 =	simm.s32 $_scs_section_size  }
0x9a: {  	s4 =	simm.s32 $_size__tile_overlayer_lowered;
	s5 =	simm.s32 $_tile_overlayer_lowered  }
0x9b: {  	s22 =	simm.s32 $0x1BFF;
	s21 =	sshll.u32 s5, $0x1;
	s2 =	sadd.s32 s19, s18  }
0x9c: {  	s6 =	simm.s32 $0x0;
	s20 =	sshll.u32 s4, $0x1;
	s4 =	sadd.s32 s21, s2  }
0x9d: {  	[timem:s6], [sflag:s22] =	dma.local [hbm:s4], s20  }
0x9e: {  	_ =	swait.ge [sflag:s22], s20  }
0x9f: {  	s3 =	ssub.s32 $0x0, s20;
	[sflag:s22] =	ssyncset.done $0x0  }
0xa0: {  	[sflag:s22] =	ssyncadd.s32 s3;
	_ =	sdelay $0x1  }
0xa1: {  	s23 =	simm.s32 $0x1B8B  }
0xa2: {  	_ =	swait.ge [sflag:s23], $0x1  }
0xa3: {  	[sflag:s23] =	ssyncset.done $0x0  }
0xa4: {  	s25 =	simm.s32 $0x1B8E;
	s24 =	sld [smem:$0x3FFE];
	[sflag:s23] =	ssyncadd.s32 $0xFFFFFFFF  }
0xa5: {  	s26 =	simm.s32 $execute0_lowered;
	[smem:$0x3FD2] =	sst s25  }
0xa6: {  	s4 =	sshll.u32 s26, $0x1;
	_ =	strace $0x80000046;
	[dreg:$0x1] =	wrdreg $0xFFFFFFFF  }
0xa7: {  	s28 =	simm.s32 $_size_execute0_lowered;
	s2 =	sadd.s32 s2, s4;
	[dreg:$0x0] =	wrdreg $0x0  }
0xa8: {  	s4 =	sshll.u32 s28, $0x1;
	[dreg:$0x2] =	wrdreg s2  }
0xa9: {  	[dreg:$0x3] =	wrdreg s4  }
0xaa: {  	[dreg:$0x4] =	wrdreg $0xC0  }
0xab: {  	_ =	task [dreg:s6], $0x5FFFF  }
0xac: {  	[dreg:$0x1] =	wrdreg $0xFFFFFFFF  }
0xad: {  	[dreg:$0x0] =	wrdreg $0x60  }
0xae: {  	[dreg:$0x2] =	wrdreg s24  }
0xaf: {  	[dreg:$0x3] =	wrdreg $0x9  }
0xb0: {  	_ =	task.clear_ibuf [dreg:s6], $0x4FFFF;
	_ =	strace $0x90000046  }
0xb1: {  	s29 =	simm.s32 $0x9;
	_ =	strace $0x80000048  }
0xb2: {  	_ =	swait.ge [sflag:s29], $0x1  }
0xb3: {  	[sflag:s29] =	ssyncadd.s32 $0xFFFFFFFF  }
0xb4: {  	_ =	strace $0x90000048  }
0xb5: {  	_ =	sfence  }
0xb6: {  	s30 =	sld [smem:$0x0];
	_ =	sdelay $0x2  }
0xb7: {  	s31 =	sshll.u32 s1, $0xD;
	s1 =	sshrl.u32 s1, $0x2  }
0xb8: {  	s3 =	sand.u32 $0x4000, s31;
	s1 =	sadd.s32 s1, s30  }
0xb9: {  	s0 =	sor.u32 s3, s0;
	s1 =	sshll.u32 s1, $0x11  }
0xba: {  	s0 =	sor.u32 s1, s0  }
0xbb: {  	s0 =	sadd.s32 $0x8F2B, s0  }
0xbc: {  	[sflag:s0] =	ssyncadd.remote.s32 $0x1  }
0xbd: {  	_ =	sfence.sel $0xFFFF  }
0xbe: {  	[dreg:$0x0] =	wrdreg $0xFFFFFFFF;
	(pc) =	sbr.abs _section_cstart, $3  }
0xbf: {  	[dreg:$0x1] =	wrdreg $0xFFFFFFFF  }
0xc0: {  	_ =	task.clear_ibuf [dreg:s6], $0x2FFFF;
	_ =	strace $0x9FFFFFFF  }
0xc1: {  	(tm) =	ssettm $0x7FFFFFFF  }
tec
execute0_lowered:
.L_overlay_start_1:
0x0: {  	(tag) =	ssettag $0x1  }
0x1: {  	v0 =	vimm.s32 $0xFEDCBA98  }
0x2: {  	v1 =	vimm.s32 $0x76543210;
	v2 =	vimm.s32 $0x3210FEDC;
	v3 =	vimm.s32 $0xBA987654  }
0x3: {  	v4 =	vimm.s32 $0x10FEDCBA;
	v5 =	vimm.s32 $0x98765432;
	v6 =	vimm.s32 $0xFEDCBA9  }
0x4: {  	v7 =	vimm.s32 $0x87654321;
	v8 =	vimm.s32 $0xDCBA9876;
	v10 =	vimm.s32 $0x54321000  }
0x5: {  	v11 =	vimm.s32 $0xE40000;
	v12 =	vimm.s32 $0x32100000;
	v61 =	vimm.s32 $0x7060504  }
0x6: {  	vm0 =	vmmov $0x3;
	v13 =	vimm.s32 $0x0;
	vm14 =	vcmask $0x3F30  }
0x7: {  	vm1 =	vmmov $0xf;
	v62 =	vimm.s32 $0x0;
	vm15 =	vmmov $0xff  }
0x8: {  	v63 =	vimm.s32 $0x0;
	v0 =	vunpack.c.l.s4.s8 v0;
	v1 =	vunpack.c.l.s4.s8 v1  }
0x9: {  	v2 =	vunpack.c.l.s4.s8 v2;
	v3 =	vunpack.c.l.s4.s8 v3;
	v4 =	vunpack.c.l.s4.s8 v4  }
0xa: {  	s4 =	rddreg [dreg:$0x0];
	s1 =	simm.s32 $0x0;
	v5 =	vunpack.c.l.s4.s8 v5;
	v6 =	vunpack.c.l.s4.s8 v6;
	v7 =	vunpack.c.l.s4.s8 v7  }
0xb: {  	[smem:$0x7FF] =	sst s1;
	v8 =	vunpack.c.l.s4.s8 v8;
	v10 =	vunpack.c.l.s4.s8 v10;
	v13 =	vsel vm0, $0xFFFFFFFF, v13  }
0xc: {  	s0 =	rddreg [dreg:$0x1];
	v11 =	vunpack.c.l.s2.s4 v11;
	v12 =	vunpack.c.l.s4.s8 v12;
	_ =	strace $0x80000047;
	[tilespmem:$0x1FFD0] =	vst v13;
	v13 =	vsel vm1, $0xFFFFFFFF, v62  }
0xd: {  	v0 =	vunpack.c.0.s8.s32 v0;
	v2 =	vunpack.c.0.s8.s32 v2;
	v9 =	vunpack.c.0.s8.s32 v3  }
0xe: {  	v3 =	vunpack.c.0.s8.s32 v4;
	v4 =	vunpack.c.0.s8.s32 v5;
	v5 =	vunpack.c.0.s8.s32 v6  }
0xf: {  	v6 =	vunpack.c.0.s8.s32 v7;
	v7 =	vimm.f32 $5.000000000e+00;
	v1 =	vunpack.c.0.s8.s32 v1  }
0x10: {  	v8 =	vunpack.c.0.s8.s32 v8;
	v10 =	vunpack.c.0.s8.s32 v10;
	v11 =	vunpack.c.l.s4.s8 v11  }
0x11: {  	(erf) = vrcp.f32 v7;
	v7 =	vimm.s32 $0x65432100;
	v2 =	vcombine.low v9, v2  }
0x12: {  	v0 =	vand.u32 $0xF, v0;
	v3 =	vcombine.low v4, v3;
	v4 =	vcombine.low v6, v5  }
0x13: {  	v5 =	vimm.f32 $1.000000000e+00;
	v6 =	vimm.s32 $0xEDCBA987;
	v7 =	vunpack.c.l.s4.s8 v7  }
0x14: {  	s3 =	srdreg.scid;
	v8 =	vand.u32 $0xF, v8;
	v11 =	vunpack.c.0.s8.s32 v11;
	v9 =	vand.u32 $0xF, v9  }
0x15: {  	s2 =	stileid.u32;
	s8 =	simm.s32 $0x400;
	s9 =	simm.s32 $0x1;
	v0 =	vcombine.low v0, v1;
	v6 =	vunpack.c.l.s4.s8 v6;
	v8 =	vcombine.low v10, v8  }
0x16: {  	s10 =	simm.s32 $0x800;
	s3 =	sand.u32 $0x1, s3;
	s5 =	sshll.u32 s2, $0x1;
	v10 =	vunpack.c.0.s8.s32 v12;
	v12 =	vunpack.c.0.s8.s32 v61;
	v1 =	vand.u32 $0xF, v2  }
0x17: {  	s11 =	simm.s32 $0x0;
	s5 =	sor.u32 s3, s5;
	s7 =	ssub.s32 $0x2, s3;
	v2 =	vand.u32 $0xF, v3;
	v3 =	vand.u32 $0xF, v4;
	v6 =	vunpack.c.0.s8.s32 v6  }
0x18: {  	s3 =	sadd.s32 $0xA00, s4;
	s6 =	sshll.u32 s5, $0x4;
	s31 =	sshrl.u32 s7, $0x1;
	v4 =	vimm.f32 $0.0e+00;
	v7 =	vunpack.c.0.s8.s32 v7;
	v11 =	vand.u32 $0x3, v11  }
0x19: {  	[tilespmem:$0x1FFE0] =	vst v13;
	s6 =	sadd.s32 s6, s4;
	s7 =	ssub.s32 s7, s31;
	s4 =	sshll.u32 s5, $0x6;
	v11 =	vsel vm14, v12, v11;
	v12 =	vsel vm15, $0xFFFFFFFF, v63;
	v6 =	vand.u32 $0xF, v6  }
0x1a: {  	s5 =	sadd.s32 $0x80A00, s6;
	s6 =	smax.u32 s7, $0x1;
	s7 =	simm.s32 $0x80;
	v9 =	vcombine.low v10, v9;
	[tilespmem:$0x1FFF0] =	vst v12;
	v6 =	vcombine.low v7, v6;
	v7 =	vlaneseq.u32;
	v10 =	vpop (erf)  }
.LBB2_1:
0x1b: {  	v12 =	vimm.f32 $0.0e+00;
	s12 =	simm.s32 $0x0  }
.LBB2_2:
0x1c: {  	s13 =	sadd.s32 s4, s12;
	s14 =	sshll.u32 s12, $0x4  }
0x1d: {  	s15 =	sshll.u32 s13, $0x8;
	s14 =	sand.u32 $0x70, s14  }
0x1e: {  	s15 =	sand.u32 $0xFFFF800, s15;
	s14 =	sadd.s32 s3, s14  }
0x1f: {  	s30 =	simm.s32 $0x0;
	s14 =	sadd.s32 s15, s14  }
0x20: {  	[tilespmem:s30], [sflag:$0x1] =	stream.strided.gather [hbm4b:s14+s7], $0x800, s8, s7, $0x38;
	[tilespmem:$0x880] =	vst v63  }
0x21: {  	_ =	swait.ge [sflag:s9], $0x800  }
0x22: {  	[sflag:s9] =	ssyncset.done $0x0  }
0x23: {  	s31 =	simm.s32 $0x0;
	[sflag:s9] =	ssyncadd.s32 $0xFFFFF800  }
0x24: {  	v13 =	vld [tilespmem:s31+$0x0]  }
0x25: {  	v14 =	vld [tilespmem:s31+$0x10]  }
0x26: {  	v15 =	vld [tilespmem:s31+$0x20];
	_ =	sdelay $0x1  }
0x27: {  	v19 =	vimm.f32 $+Inf;
	v16 =	vld [tilespmem:s31+$0x30]  }
0x28: {  	v17 =	vmin.f32 v19, v13;
	v13 =	vmax.f32 v19, v13  }
0x29: {  	v18 =	vmin.f32 v19, v13;
	v13 =	vmax.f32 v19, v13;
	v20 =	vmin.f32 v17, v14  }
0x2a: {  	v14 =	vmax.f32 v17, v14;
	v22 =	vmin.f32 v19, v13;
	v17 =	vmin.f32 v20, v15  }
0x2b: {  	v21 =	vmin.f32 v18, v14;
	v23 =	vmax.f32 v18, v14;
	v13 =	vmax.f32 v19, v13  }
0x2c: {  	v15 =	vmax.f32 v20, v15;
	v14 =	vmin.f32 v17, v16;
	v24 =	vmax.f32 v17, v16  }
0x2d: {  	v17 =	vmin.f32 v19, v13;
	v13 =	vmax.f32 v19, v13;
	v18 =	vmin.f32 v22, v23  }
0x2e: {  	v25 =	vmin.f32 v21, v15;
	v21 =	vmax.f32 v21, v15;
	v22 =	vmax.f32 v22, v23  }
0x2f: {  	v16 =	vmin.f32 v19, v13;
	v13 =	vmax.f32 v19, v13;
	v15 =	vmin.f32 v25, v24  }
0x30: {  	s14 =	simm.s32 $0x100;
	v20 =	vmin.f32 v19, v13;
	v19 =	vmax.f32 v18, v21;
	v13 =	vmax.f32 v25, v24  }
.LBB2_3:
0x31: {  	s15 =	sshra.s32 s14, $0x2;
	p0 =	sne.s32 s14, $0x1F00;
	s14 =	sadd.s32 $0x100, s14;
	v23 =	vmin.f32 v17, v22;
	v17 =	vmax.f32 v17, v22;
	v18 =	vmin.f32 v18, v21  }
0x32: {  	v21 =	vld [tilespmem:s15+$0x0];
	v22 =	vmin.f32 v16, v17;
	v16 =	vmax.f32 v16, v17;
	v17 =	vmin.f32 v23, v19  }
0x33: {  	v19 =	vmax.f32 v23, v19;
	v24 =	vld [tilespmem:s15+$0x10];
	v16 =	vmin.f32 v20, v16;
	v20 =	vmax.f32 v18, v13  }
0x34: {  	v25 =	vmin.f32 v22, v19;
	v19 =	vmax.f32 v22, v19;
	v23 =	vld [tilespmem:s15+$0x20];
	v22 =	vmax.f32 v17, v20  }
0x35: {  	v16 =	vmin.f32 v16, v19;
	v26 =	vld [tilespmem:s15+$0x30];
	v19 =	vmin.f32 v25, v22;
	v22 =	vmax.f32 v25, v22  }
0x36: {  	v13 =	vmin.f32 v18, v13;
	v18 =	vmin.f32 v17, v20;
	v20 =	vmin.f32 v16, v22  }
0x37: {  	v16 =	vmin.f32 v14, v21;
	v14 =	vmax.f32 v14, v21  }
0x38: {  	v17 =	vmin.f32 v15, v14;
	v15 =	vmax.f32 v15, v14;
	v21 =	vmin.f32 v16, v24  }
0x39: {  	v14 =	vmax.f32 v16, v24;
	v22 =	vmin.f32 v13, v15;
	v16 =	vmin.f32 v21, v23  }
0x3a: {  	v24 =	vmin.f32 v17, v14;
	v25 =	vmax.f32 v17, v14;
	v14 =	vmin.f32 v16, v26  }
.Ltmp0:
0x3b: {  	v13 =	vmax.f32 v13, v15;
	v15 =	vmax.f32 v21, v23;
	v23 =	vmax.f32 v16, v26;
	(pc) =	sbr.rel @p0 .LBB2_3-.Ltmp0, $4  }
0x3c: {  	v17 =	vmin.f32 v18, v13;
	v13 =	vmax.f32 v18, v13;
	v18 =	vmin.f32 v22, v25  }
0x3d: {  	v26 =	vmin.f32 v24, v15;
	v21 =	vmax.f32 v24, v15;
	v16 =	vmin.f32 v19, v13  }
0x3e: {  	v22 =	vmax.f32 v22, v25;
	v13 =	vmax.f32 v19, v13;
	v15 =	vmin.f32 v26, v23  }
0x3f: {  	v19 =	vmax.f32 v18, v21;
	v20 =	vmin.f32 v20, v13;
	v13 =	vmax.f32 v26, v23  }
0x40: {  	v23 =	vmin.f32 v17, v22;
	v26 =	vmax.f32 v17, v22  }
0x41: {  	v18 =	vmin.f32 v18, v21;
	v27 =	vmin.f32 v16, v26;
	v28 =	vmax.f32 v16, v26  }
0x42: {  	v29 =	vmin.f32 v23, v19;
	v30 =	vmax.f32 v23, v19;
	v31 =	vmax.f32 v18, v13  }
0x43: {  	v18 =	vmin.f32 v18, v13;
	v13 =	vmin.f32 v14, v15;
	v16 =	vmin.f32 v20, v28  }
0x44: {  	v32 =	vmin.f32 v27, v30;
	v19 =	vmax.f32 v27, v30;
	v33 =	vmax.f32 v29, v31  }
0x45: {  	v17 =	vmin.f32 v29, v31;
	v13 =	vmin.f32 v13, v18;
	v16 =	vmin.f32 v16, v19  }
0x46: {  	v34 =	vmin.f32 v32, v33;
	v35 =	vmax.f32 v32, v33;
	v13 =	vmin.f32 v13, v17  }
0x47: {  	v16 =	vmin.f32 v16, v35;
	v13 =	vmin.f32 v13, v34  }
0x48: {  	v13 =	vmin.f32 v13, v16  }
0x49: {  	v36 =	vperm.xlane v13, v0;
	_ =	sdelay $0x1  }
0x4a: {  	v13 =	vmin.f32 v13, v36  }
0x4b: {  	v20 =	vperm.xlane v13, v1;
	_ =	sdelay $0x1  }
0x4c: {  	v13 =	vmin.f32 v13, v20  }
0x4d: {  	v20 =	vperm.xlane v13, v2;
	_ =	sdelay $0x1  }
0x4e: {  	v13 =	vmin.f32 v13, v20  }
0x4f: {  	v20 =	vperm.xlane v13, v3;
	_ =	sdelay $0x1  }
0x50: {  	v24 =	vmin.f32 v13, v20  }
0x51: {  	v13 =	vmax.f32 v24, $9.999999960e-13  }
0x52: {  	v37 =	vshrl.u32 v13, $0x1  }
0x53: {  	v20 =	vadd.s32 $0x1FBD1DF5, v37  }
0x54: {  	(erf) = vrcp.f32 v20;
	_ =	sdelay $0x8  }
0x55: {  	v38 =	vpop (erf)  }
0x56: {  	vm7 =	veq.f32 v14, v24;
	v21 =	vmul.f32 v38, v13  }
0x57: {  	vm10 =	veq.f32 v15, v24;
	vm1 =	veq.f32 v18, v24;
	vm0 =	veq.f32 v17, v24  }
0x58: {  	v41 =	vsel vm7, $0x7F800000, v14;
	v42 =	vsel vm10, $0x7F800000, v15;
	v20 =	vadd.f32 v20, v21  }
0x59: {  	vm5 =	veq.f32 v34, v24;
	v18 =	vsel vm1, $0x7F800000, v18;
	v14 =	vmin.f32 v41, v42  }
0x5a: {  	v17 =	vsel vm0, $0x7F800000, v17;
	v14 =	vmin.f32 v14, v18;
	v15 =	vmul.f32 $5.000000000e-01, v20  }
0x5b: {  	vm6 =	veq.f32 v16, v24;
	v19 =	vsel vm5, $0x7F800000, v34;
	v14 =	vmin.f32 v14, v17  }
0x5c: {  	v43 =	vsel vm6, $0x7F800000, v16;
	v14 =	vmin.f32 v14, v19;
	(erf) = vrcp.f32 v15  }
0x5d: {  	v14 =	vmin.f32 v14, v43  }
0x5e: {  	v44 =	vperm.xlane v14, v0;
	_ =	sdelay $0x1  }
0x5f: {  	v14 =	vmin.f32 v14, v44  }
0x60: {  	v16 =	vperm.xlane v14, v1;
	_ =	sdelay $0x1  }
0x61: {  	v14 =	vmin.f32 v14, v16  }
0x62: {  	v16 =	vperm.xlane v14, v2  }
0x63: {  	v45 =	vpop (erf)  }
0x64: {  	v14 =	vmin.f32 v14, v16;
	v23 =	vmul.f32 v45, v13  }
0x65: {  	v16 =	vperm.xlane v14, v3  }
0x66: {  	v15 =	vadd.f32 v23, v15  }
0x67: {  	v29 =	vmin.f32 v14, v16  }
0x68: {  	v14 =	vmax.f32 v29, $9.999999960e-13;
	v15 =	vmul.f32 $5.000000000e-01, v15  }
0x69: {  	v46 =	vshrl.u32 v14, $0x1  }
0x6a: {  	v47 =	vadd.s32 $0x1FBD1DF5, v46;
	(erf) = vrcp.f32 v15  }
0x6b: {  	(erf) = vrcp.f32 v47;
	_ =	sdelay $0x7  }
0x6c: {  	v39 =	vimm.s32 $0x0;
	v16 =	vpop (erf)  }
0x6d: {  	v40 =	vimm.s32 $0x0;
	v22 =	vsel vm1, $0xFFFFFFFF, v39;
	v25 =	vpop (erf)  }
0x6e: {  	[tilespmem:$0x1FFB0] =	vst v22;
	v22 =	vsel vm0, $0xFFFFFFFF, v40;
	vm1 =	veq.f32 v41, v29;
	v25 =	vmul.f32 v25, v14  }
0x6f: {  	vm0 =	veq.f32 v42, v29;
	vm3 =	veq.f32 v18, v29;
	vm15 =	veq.f32 v17, v29  }
0x70: {  	[tilespmem:$0x1FFC0] =	vst v22;
	v21 =	vsel vm1, $0x7F800000, v41;
	v22 =	vsel vm0, $0x7F800000, v42;
	v23 =	vadd.f32 v47, v25  }
0x71: {  	vm13 =	veq.f32 v19, v29;
	v48 =	vsel vm3, $0x7F800000, v18;
	v49 =	vmin.f32 v21, v22  }
0x72: {  	v26 =	vsel vm15, $0x7F800000, v17;
	v50 =	vmin.f32 v49, v48;
	v23 =	vmul.f32 $5.000000000e-01, v23  }
0x73: {  	vm14 =	veq.f32 v43, v29;
	v27 =	vsel vm13, $0x7F800000, v19;
	v17 =	vmin.f32 v50, v26  }
0x74: {  	v20 =	vsel vm14, $0x7F800000, v43;
	v17 =	vmin.f32 v17, v27;
	(erf) = vrcp.f32 v23  }
0x75: {  	v17 =	vmin.f32 v17, v20  }
0x76: {  	v51 =	vperm.xlane v17, v0;
	_ =	sdelay $0x1  }
0x77: {  	v17 =	vmin.f32 v17, v51  }
0x78: {  	v18 =	vperm.xlane v17, v1;
	_ =	sdelay $0x1  }
0x79: {  	v17 =	vmin.f32 v17, v18  }
0x7a: {  	v18 =	vperm.xlane v17, v2  }
0x7b: {  	v52 =	vpop (erf)  }
0x7c: {  	v17 =	vmin.f32 v17, v18;
	v19 =	vmul.f32 v52, v14  }
0x7d: {  	v18 =	vperm.xlane v17, v3  }
0x7e: {  	v19 =	vadd.f32 v19, v23  }
0x7f: {  	v28 =	vmin.f32 v17, v18  }
0x80: {  	v18 =	vmax.f32 v28, $9.999999960e-13;
	v17 =	vmul.f32 $5.000000000e-01, v19  }
0x81: {  	v53 =	vshrl.u32 v18, $0x1  }
0x82: {  	v54 =	vadd.s32 $0x1FBD1DF5, v53;
	(erf) = vrcp.f32 v17  }
0x83: {  	(erf) = vrcp.f32 v54;
	_ =	sdelay $0x7  }
0x84: {  	v19 =	vpop (erf)  }
0x85: {  	v30 =	vpop (erf)  }
0x86: {  	vm4 =	veq.f32 v21, v28;
	v30 =	vmul.f32 v30, v18  }
0x87: {  	vm2 =	veq.f32 v22, v28;
	vm12 =	veq.f32 v48, v28;
	vm8 =	veq.f32 v26, v28  }
0x88: {  	v31 =	vsel vm4, $0x7F800000, v21;
	v32 =	vsel vm2, $0x7F800000, v22;
	v23 =	vadd.f32 v54, v30  }
0x89: {  	vm11 =	veq.f32 v27, v28;
	v22 =	vmin.f32 v31, v32;
	v25 =	vsel vm12, $0x7F800000, v48  }
0x8a: {  	v26 =	vsel vm8, $0x7F800000, v26;
	v22 =	vmin.f32 v22, v25;
	v55 =	vmul.f32 $5.000000000e-01, v23  }
0x8b: {  	vm9 =	veq.f32 v20, v28;
	v27 =	vsel vm11, $0x7F800000, v27;
	v22 =	vmin.f32 v22, v26  }
0x8c: {  	v60 =	vld [tilespmem:$0x1FFB0];
	v33 =	vsel vm9, $0x7F800000, v20;
	v56 =	vmin.f32 v22, v27;
	(erf) = vrcp.f32 v55  }
0x8d: {  	v20 =	vmin.f32 v56, v33  }
0x8e: {  	v62 =	vld [tilespmem:$0x1FFC0];
	v59 =	vperm.xlane v20, v0;
	_ =	sdelay $0x1  }
0x8f: {  	v57 =	vsel vm7, $0x3F800000, v4;
	v58 =	vsel vm10, $0x3F800000, v4;
	v20 =	vmin.f32 v20, v59  }
0x90: {  	vm10 =	vnez.u8 v60;
	v22 =	vadd.f32 v58, v57;
	v61 =	vperm.xlane v20, v1  }
0x91: {  	v63 =	vsel vm1, $0x3F800000, v4;
	v40 =	vsel vm0, $0x3F800000, v4;
	v23 =	vsel vm10, $0x3F800000, v4  }
0x92: {  	v20 =	vmin.f32 v20, v61;
	vm10 =	vnez.u8 v62;
	v22 =	vadd.f32 v22, v23  }
0x93: {  	v35 =	vperm.xlane v20, v2;
	v30 =	vsel vm10, $0x3F800000, v4;
	v23 =	vadd.f32 v40, v63  }
0x94: {  	v34 =	vsel vm5, $0x3F800000, v4;
	v42 =	vsel vm3, $0x3F800000, v4;
	v22 =	vadd.f32 v22, v30;
	v41 =	vpop (erf)  }
0x95: {  	v20 =	vmin.f32 v20, v35;
	v23 =	vadd.f32 v23, v42;
	v30 =	vmul.f32 v41, v18  }
0x96: {  	v44 =	vsel vm15, $0x3F800000, v4;
	v43 =	vperm.xlane v20, v3;
	v22 =	vadd.f32 v22, v34  }
0x97: {  	v36 =	vsel vm6, $0x3F800000, v4;
	v23 =	vadd.f32 v23, v44;
	v21 =	vadd.f32 v30, v55  }
0x98: {  	v45 =	vsel vm13, $0x3F800000, v4;
	v22 =	vadd.f32 v22, v36;
	v30 =	vmin.f32 v20, v43  }
0x99: {  	v23 =	vadd.f32 v23, v45;
	v20 =	vmax.f32 v30, $9.999999960e-13;
	v21 =	vmul.f32 $5.000000000e-01, v21  }
0x9a: {  	v47 =	vsel vm14, $0x3F800000, v4;
	v36 =	vperm.xlane v22, v0;
	v46 =	vshrl.u32 v20, $0x1  }
0x9b: {  	v23 =	vadd.f32 v23, v47;
	v34 =	vadd.s32 $0x1FBD1DF5, v46;
	(erf) = vrcp.f32 v21  }
0x9c: {  	v22 =	vadd.f32 v22, v36;
	(erf) = vrcp.f32 v34  }
0x9d: {  	v49 =	vperm.xlane v23, v0  }
0x9e: {  	v48 =	vperm.xlane v22, v1  }
0x9f: {  	v53 =	vsel vm2, $0x3F800000, v4;
	v23 =	vadd.f32 v23, v49  }
0xa0: {  	v56 =	vsel vm12, $0x3F800000, v4;
	v52 =	vsel vm4, $0x3F800000, v4;
	v22 =	vadd.f32 v22, v48  }
0xa1: {  	v36 =	vperm.xlane v23, v1;
	vm2 =	veq.f32 v31, v30;
	vm13 =	veq.f32 v32, v30  }
0xa2: {  	vm14 =	veq.f32 v25, v30;
	vm4 =	veq.f32 v26, v30;
	vm5 =	veq.f32 v27, v30  }
0xa3: {  	vm3 =	veq.f32 v33, v30;
	v31 =	vsel vm2, $0x7F800000, v31;
	v32 =	vsel vm13, $0x7F800000, v32  }
0xa4: {  	v39 =	vsel vm14, $0x7F800000, v25;
	v50 =	vadd.f32 v23, v36;
	v54 =	vmin.f32 v31, v32;
	v23 =	vpop (erf)  }
0xa5: {  	v40 =	vsel vm4, $0x7F800000, v26;
	v41 =	vsel vm5, $0x7F800000, v27;
	v25 =	vmin.f32 v54, v39;
	v37 =	vpop (erf)  }
0xa6: {  	v33 =	vsel vm3, $0x7F800000, v33;
	v25 =	vmin.f32 v25, v40;
	v37 =	vmul.f32 v37, v20  }
0xa7: {  	v35 =	vperm.xlane v22, v2;
	v38 =	vperm.xlane v50, v2;
	v25 =	vmin.f32 v25, v41  }
0xa8: {  	v55 =	vadd.f32 v53, v52;
	v57 =	vmin.f32 v25, v33;
	v34 =	vadd.f32 v34, v37  }
0xa9: {  	v22 =	vadd.f32 v22, v35;
	v35 =	vadd.f32 v50, v38;
	v59 =	vperm.xlane v57, v0  }
0xaa: {  	v26 =	vadd.f32 v55, v56;
	v34 =	vmul.f32 $5.000000000e-01, v34  }
0xab: {  	v51 =	vperm.xlane v22, v3;
	v58 =	vperm.xlane v35, v3;
	v62 =	vmin.f32 v57, v59  }
0xac: {  	v61 =	vsel vm8, $0x3F800000, v4;
	v42 =	vperm.xlane v62, v1;
	(erf) = vrcp.f32 v34  }
0xad: {  	v63 =	vsel vm11, $0x3F800000, v4;
	v26 =	vadd.f32 v26, v61  }
0xae: {  	v22 =	vadd.f32 v22, v51;
	v25 =	vadd.f32 v35, v58;
	v35 =	vmin.f32 v62, v42  }
0xaf: {  	v44 =	vsel vm9, $0x3F800000, v4;
	v26 =	vadd.f32 v26, v63;
	v46 =	vperm.xlane v35, v2  }
0xb0: {  	v49 =	vsel vm2, $0x3F800000, v4;
	v53 =	vsel vm4, $0x3F800000, v4;
	vm15 =	vge.f32 v22, $6.000000000e+00  }
0xb1: {  	v45 =	vadd.f32 v26, v44;
	v60 =	vsel vm15, $0x3F800000, v4;
	v35 =	vmin.f32 v35, v46  }
0xb2: {  	v24 =	vmul.f32 v60, v24;
	v27 =	vadd.f32 v25, v22;
	v50 =	vperm.xlane v35, v3  }
0xb3: {  	v51 =	vsel vm14, $0x3F800000, v4;
	v48 =	vperm.xlane v45, v0;
	vm10 =	vlt.f32 v22, $6.000000000e+00  }
0xb4: {  	vm11 =	vge.f32 v27, $6.000000000e+00;
	v42 =	vadd.f32 $0.0e+00, v24;
	v37 =	vmin.f32 v35, v50  }
0xb5: {  	vm7 =	veq.f32 v31, v37;
	vm8 =	veq.f32 v32, v37;
	v24 =	vmax.f32 v37, $9.999999960e-13;
	v43 =	vpop (erf)  }
0xb6: {  	vm12 =	veq.f32 v39, v37;
	vm14 =	veq.f32 v41, v37;
	v36 =	vmul.f32 v43, v20  }
0xb7: {  	vm15 =	veq.f32 v33, v37;
	v52 =	vshrl.u32 v24, $0x1;
	v44 =	vsel vm7, $0x7F800000, v31  }
0xb8: {  	v32 =	vsel vm8, $0x7F800000, v32;
	v39 =	vsel vm12, $0x7F800000, v39;
	v47 =	vadd.f32 v36, v34  }
0xb9: {  	v41 =	vsel vm14, $0x7F800000, v41;
	v33 =	vsel vm15, $0x7F800000, v33;
	v31 =	vmin.f32 v44, v32  }
0xba: {  	v43 =	vsel vm13, $0x3F800000, v4;
	vm13 =	veq.f32 v40, v37;
	v26 =	vmul.f32 $5.000000000e-01, v47  }
0xbb: {  	v35 =	vadd.s32 $0x1FBD1DF5, v52;
	v31 =	vmin.f32 v31, v39;
	v40 =	vsel vm13, $0x7F800000, v40  }
0xbc: {  	v34 =	vadd.f32 v45, v48;
	v31 =	vmin.f32 v31, v40;
	(erf) = vrcp.f32 v26  }
0xbd: {  	v36 =	vadd.f32 v43, v49;
	v31 =	vmin.f32 v31, v41;
	(erf) = vrcp.f32 v35  }
0xbe: {  	vm6 =	vmand vm10, vm11;
	v45 =	vperm.xlane v34, v1;
	v31 =	vmin.f32 v31, v33  }
0xbf: {  	v29 =	vsub.f32 v29, v42;
	v36 =	vadd.f32 v36, v51;
	v54 =	vperm.xlane v31, v0  }
0xc0: {  	v57 =	vsel vm5, $0x3F800000, v4;
	v38 =	vsel vm6, $0x3F800000, v4;
	v34 =	vadd.f32 v34, v45  }
0xc1: {  	v46 =	vmul.f32 v38, v29;
	v55 =	vadd.f32 v36, v53;
	v31 =	vmin.f32 v31, v54  }
0xc2: {  	v58 =	vsel vm3, $0x3F800000, v4;
	v56 =	vperm.xlane v34, v2;
	v45 =	vperm.xlane v31, v1  }
0xc3: {  	v61 =	vsel vm7, $0x3F800000, v4;
	v62 =	vsel vm8, $0x3F800000, v4;
	v43 =	vadd.f32 v55, v57  }
0xc4: {  	v34 =	vadd.f32 v34, v56;
	v31 =	vmin.f32 v31, v45;
	v45 =	vadd.f32 v62, v61  }
0xc5: {  	v48 =	vsel vm12, $0x3F800000, v4;
	v36 =	vadd.f32 v43, v58;
	v47 =	vperm.xlane v31, v2;
	v29 =	vpop (erf)  }
0xc6: {  	v55 =	vsel vm13, $0x3F800000, v4;
	v63 =	vperm.xlane v34, v3;
	v53 =	vadd.f32 v45, v48;
	v59 =	vpop (erf)  }
0xc7: {  	v52 =	vperm.xlane v36, v0;
	v47 =	vmin.f32 v31, v47;
	v60 =	vmul.f32 v59, v24  }
0xc8: {  	v31 =	vadd.f32 v34, v63;
	v54 =	vperm.xlane v47, v3;
	v34 =	vadd.f32 v53, v55  }
0xc9: {  	v56 =	vsel vm14, $0x3F800000, v4;
	v35 =	vadd.f32 v35, v60  }
0xca: {  	v36 =	vadd.f32 v36, v52;
	v45 =	vmin.f32 v47, v54;
	v57 =	vadd.f32 v34, v56  }
0xcb: {  	vm9 =	veq.f32 v44, v45;
	vm10 =	veq.f32 v32, v45;
	v35 =	vmul.f32 $5.000000000e-01, v35  }
0xcc: {  	vm11 =	veq.f32 v39, v45;
	v58 =	vsel vm9, $0x3F800000, v4;
	v59 =	vsel vm10, $0x3F800000, v4  }
0xcd: {  	v60 =	vsel vm15, $0x3F800000, v4;
	v34 =	vadd.f32 v59, v58;
	(erf) = vrcp.f32 v35  }
0xce: {  	v61 =	vperm.xlane v36, v1;
	v63 =	vsel vm11, $0x3F800000, v4;
	v62 =	vadd.f32 v57, v60  }
0xcf: {  	v42 =	vadd.f32 v46, v42;
	vm13 =	veq.f32 v40, v45;
	v34 =	vadd.f32 v34, v63  }
0xd0: {  	v36 =	vadd.f32 v36, v61;
	v40 =	vsel vm13, $0x3F800000, v4;
	v44 =	vperm.xlane v62, v0  }
0xd1: {  	v28 =	vsub.f32 v28, v42;
	vm14 =	veq.f32 v41, v45;
	v34 =	vadd.f32 v34, v40  }
0xd2: {  	v41 =	vsel vm14, $0x3F800000, v4;
	v46 =	vperm.xlane v36, v2;
	v39 =	vadd.f32 v62, v44  }
0xd3: {  	vm12 =	vlt.f32 v27, $6.000000000e+00;
	vm4 =	veq.f32 v33, v45;
	v34 =	vadd.f32 v34, v41  }
0xd4: {  	v50 =	vsel vm4, $0x3F800000, v4;
	v47 =	vadd.f32 v36, v46;
	v48 =	vperm.xlane v39, v1  }
0xd5: {  	v32 =	vadd.f32 v31, v27;
	v33 =	vmax.f32 v45, $9.999999960e-13;
	v41 =	vadd.f32 v34, v50  }
0xd6: {  	v55 =	vshrl.u32 v33, $0x1;
	v51 =	vperm.xlane v47, v3;
	v36 =	vadd.f32 v39, v48;
	v49 =	vpop (erf)  }
0xd7: {  	vm15 =	vge.f32 v32, $6.000000000e+00;
	v52 =	vperm.xlane v41, v0;
	v40 =	vmul.f32 v49, v24  }
0xd8: {  	vm0 =	vmand vm12, vm15;
	v34 =	vadd.f32 v47, v51;
	v54 =	vperm.xlane v36, v2  }
0xd9: {  	v43 =	vsel vm0, $0x3F800000, v4;
	v39 =	vadd.f32 v41, v52;
	v35 =	vadd.f32 v40, v35  }
0xda: {  	vm5 =	vlt.f32 v32, $6.000000000e+00;
	v53 =	vmul.f32 v43, v28;
	v36 =	vadd.f32 v36, v54  }
0xdb: {  	v56 =	vperm.xlane v39, v1;
	v28 =	vmul.f32 $5.000000000e-01, v35;
	v35 =	vadd.f32 v34, v32  }
0xdc: {  	v41 =	vadd.s32 $0x1FBD1DF5, v55;
	v57 =	vperm.xlane v36, v3;
	v40 =	vadd.f32 v53, v42  }
0xdd: {  	v39 =	vadd.f32 v39, v56;
	(erf) = vrcp.f32 v28;
	vm6 =	vge.f32 v35, $6.000000000e+00  }
0xde: {  	v58 =	vsub.f32 v30, v40;
	(erf) = vrcp.f32 v41;
	vm0 =	vmand vm5, vm6  }
0xdf: {  	v30 =	vadd.f32 v36, v57;
	v60 =	vperm.xlane v39, v2;
	v59 =	vsel vm0, $0x3F800000, v4  }
0xe0: {  	v44 =	vmul.f32 v59, v58  }
0xe1: {  	v36 =	vadd.f32 v30, v35;
	v42 =	vadd.f32 v39, v60  }
0xe2: {  	v40 =	vadd.f32 v44, v40  }
0xe3: {  	vm7 =	vlt.f32 v35, $6.000000000e+00;
	vm8 =	vge.f32 v36, $6.000000000e+00;
	v61 =	vperm.xlane v42, v3  }
0xe4: {  	vm0 =	vmand vm7, vm8;
	v62 =	vsub.f32 v37, v40  }
0xe5: {  	v63 =	vsel vm0, $0x3F800000, v4;
	v37 =	vadd.f32 v42, v61  }
0xe6: {  	v39 =	vpop (erf);
	v51 =	vmul.f32 v63, v62  }
0xe7: {  	v38 =	vmul.f32 v38, v22;
	v52 =	vadd.f32 v37, v36;
	v50 =	vpop (erf)  }
0xe8: {  	v42 =	vmul.f32 v50, v33;
	v40 =	vadd.f32 v51, v40  }
0xe9: {  	v38 =	vadd.f32 $0.0e+00, v38;
	vm9 =	vlt.f32 v36, $6.000000000e+00;
	vm10 =	vge.f32 v52, $6.000000000e+00  }
0xea: {  	vm0 =	vmand vm9, vm10;
	v41 =	vadd.f32 v41, v42;
	v53 =	vsub.f32 v45, v40  }
0xeb: {  	v44 =	vsel vm0, $0x3F800000, v4  }
0xec: {  	v54 =	vsub.f32 v27, v38;
	v45 =	vld [tilespmem:$0x0];
	v41 =	vmul.f32 $5.000000000e-01, v41;
	v42 =	vmul.f32 v44, v53;
	_ =	sdelay $0x1  }
0xed: {  	(erf) = vrcp.f32 v41;
	v40 =	vadd.f32 v42, v40;
	v42 =	vmul.f32 v43, v54;
	_ =	sdelay $0x1  }
0xee: {  	v38 =	vadd.f32 v42, v38  }
0xef: {  	vm11 =	veq.f32 v45, v40  }
0xf0: {  	v43 =	vsel vm11, $0x3F800000, v4;
	v57 =	vsub.f32 v32, v38  }
0xf1: {  	v55 =	vperm.xlane v43, v6  }
0xf2: {  	vm12 =	veq.s32 v7, $0x0;
	v46 =	vmul.f32 v59, v57;
	v59 =	vld [tilespmem:$0x1FFD0]  }
0xf3: {  	v56 =	vsel vm12, $0x0, v55  }
0xf4: {  	v42 =	vadd.f32 v43, v56  }
0xf5: {  	v49 =	vpop (erf)  }
0xf6: {  	v58 =	vperm.xlane v42, v8;
	v49 =	vmul.f32 v49, v33  }
0xf7: {  	v62 =	vld [tilespmem:$0x1FFE0];
	vm13 =	vnez.u8 v59  }
0xf8: {  	v38 =	vadd.f32 v46, v38;
	v41 =	vadd.f32 v49, v41;
	v46 =	vsel vm13, $0x0, v58  }
0xf9: {  	v42 =	vadd.f32 v42, v46  }
0xfa: {  	v47 =	vmax.f32 v45, $9.999999960e-13;
	v41 =	vmul.f32 $5.000000000e-01, v41  }
0xfb: {  	v61 =	vshrl.u32 v47, $0x1;
	v50 =	vperm.xlane v42, v9  }
0xfc: {  	vm14 =	vnez.u8 v62;
	v53 =	vld [tilespmem:$0x1FFF0];
	v49 =	vadd.s32 $0x1FBD1DF5, v61;
	(erf) = vrcp.f32 v41  }
0xfd: {  	v60 =	vsub.f32 v35, v38;
	(erf) = vrcp.f32 v49;
	v48 =	vsel vm14, $0x0, v50  }
0xfe: {  	v42 =	vadd.f32 v42, v48  }
0xff: {  	v46 =	vmul.f32 v63, v60  }
0x100: {  	v63 =	vperm.xlane v42, v11  }
0x101: {  	vm15 =	vnez.u8 v53;
	v38 =	vadd.f32 v46, v38  }
0x102: {  	v46 =	vsel vm15, $0x0, v63  }
0x103: {  	v52 =	vsub.f32 v36, v38;
	_ =	sdelay $0x1  }
0x104: {  	v44 =	vmul.f32 v44, v52;
	v42 =	vadd.f32 v42, v46;
	v46 =	vpop (erf)  }
0x105: {  	v54 =	vpop (erf)  }
0x106: {  	v38 =	vadd.f32 v44, v38;
	v44 =	vmul.f32 v54, v47  }
0x107: {  	v42 =	vsub.f32 v42, v43  }
0x108: {  	v55 =	vadd.f32 v49, v44  }
0x109: {  	v38 =	vadd.f32 v42, v38  }
0x10a: {  	v56 =	vmul.f32 $5.000000000e-01, v55  }
0x10b: {  	vm6 =	vlt.f32 v45, v40;
	vm7 =	vlt.f32 v38, $6.000000000e+00  }
0x10c: {  	v40 =	vsel vm6, $0x3F800000, v4;
	v57 =	vnsel vm7, $0x0, v43;
	(erf) = vrcp.f32 v56  }
0x10d: {  	v40 =	vadd.f32 v57, v40;
	_ =	sdelay $0x1  }
0x10e: {  	v58 =	vmov s13;
	v40 =	vmin.f32 v40, $1.000000000e+00  }
0x10f: {  	vm8 =	veq.s32 v58, v7;
	v40 =	vsub.f32 $1.000000000e+00, v40  }
0x110: {  	v42 =	vsel vm8, $0x0, v5  }
0x111: {  	v40 =	vmul.f32 v40, v42;
	_ =	sdelay $0x1  }
0x112: {  	v42 =	vperm.xlane v40, v6  }
0x113: {  	v59 =	vpop (erf)  }
0x114: {  	v42 =	vsel vm12, $0x0, v42;
	v43 =	vmul.f32 v59, v47  }
0x115: {  	v42 =	vadd.f32 v40, v42  }
0x116: {  	v38 =	vadd.f32 v43, v56  }
0x117: {  	v60 =	vperm.xlane v42, v8  }
0x118: {  	v38 =	vmul.f32 $5.000000000e-01, v38  }
0x119: {  	v61 =	vsel vm13, $0x0, v60  }
0x11a: {  	v42 =	vadd.f32 v42, v61;
	(erf) = vrcp.f32 v38  }
0x11b: {  	v13 =	vmul.f32 v16, v13  }
0x11c: {  	v43 =	vperm.xlane v42, v9  }
0x11d: {  	v13 =	vadd.f32 v13, v15  }
0x11e: {  	v14 =	vmul.f32 v19, v14;
	v18 =	vmul.f32 v23, v18;
	v43 =	vsel vm14, $0x0, v43  }
0x11f: {  	v27 =	vsub.f32 $6.000000000e+00, v27;
	v62 =	vadd.f32 v42, v43  }
0x120: {  	v14 =	vadd.f32 v14, v17;
	v18 =	vadd.f32 v18, v21  }
0x121: {  	v13 =	vmul.f32 $5.000000000e-01, v13;
	v27 =	vmax.f32 v27, $0.0e+00;
	v15 =	vperm.xlane v62, v11  }
0x122: {  	v14 =	vmul.f32 $5.000000000e-01, v14;
	v18 =	vmul.f32 $5.000000000e-01, v18;
	v31 =	vmin.f32 v31, v27  }
0x123: {  	v48 =	vsub.f32 $6.000000000e+00, v32;
	v63 =	vsub.f32 $6.000000000e+00, v22;
	v15 =	vsel vm15, $0x0, v15;
	v42 =	vpop (erf)  }
0x124: {  	v17 =	vmul.f32 v18, v31;
	v15 =	vadd.f32 v62, v15;
	v19 =	vmul.f32 v42, v47  }
0x125: {  	v53 =	vmul.f32 v39, v24;
	v50 =	vmax.f32 v48, $0.0e+00;
	v23 =	vmax.f32 v63, $0.0e+00  }
0x126: {  	v44 =	vmin.f32 v22, $6.000000000e+00;
	vm9 =	vle.f32 v15, $5.000000000e+00;
	v19 =	vadd.f32 v19, v38  }
0x127: {  	v21 =	vmul.f32 v13, v44;
	v15 =	vmul.f32 v29, v20;
	v43 =	vsel vm9, $0x3F800000, v4  }
0x128: {  	v16 =	vmin.f32 v25, v23;
	v20 =	vmul.f32 v43, v40;
	v19 =	vmul.f32 $5.000000000e-01, v19  }
0x129: {  	v52 =	vmin.f32 v34, v50;
	vm11 =	vgt.f32 v16, $0.0e+00;
	v14 =	vmul.f32 v14, v16  }
0x12a: {  	v54 =	vsub.f32 $6.000000000e+00, v35;
	v45 =	vadd.f32 $0.0e+00, v21;
	v47 =	vmul.f32 v20, v19  }
0x12b: {  	v14 =	vnsel vm11, $0x0, v14;
	vm10 =	vgt.f32 v44, $0.0e+00;
	v15 =	vadd.f32 v15, v26  }
0x12c: {  	v55 =	vadd.f32 v53, v28;
	v16 =	vnsel vm10, $0x0, v45;
	v51 =	vperm.xlane v47, v0  }
0x12d: {  	v57 =	vmax.f32 v54, $0.0e+00;
	v14 =	vadd.f32 v14, v16;
	v15 =	vmul.f32 $5.000000000e-01, v15  }
0x12e: {  	v16 =	vmul.f32 $5.000000000e-01, v55;
	vm12 =	vgt.f32 v31, $0.0e+00;
	v18 =	vadd.f32 v47, v51  }
0x12f: {  	v49 =	vnsel vm12, $0x0, v17;
	v56 =	vmul.f32 v46, v33;
	v15 =	vmul.f32 v15, v52  }
0x130: {  	v14 =	vadd.f32 v49, v14;
	vm13 =	vgt.f32 v52, $0.0e+00;
	v58 =	vperm.xlane v18, v1  }
0x131: {  	v59 =	vsub.f32 $6.000000000e+00, v36;
	v17 =	vadd.f32 v56, v41;
	v15 =	vnsel vm13, $0x0, v15  }
0x132: {  	v14 =	vadd.f32 v15, v14;
	v15 =	vmin.f32 v30, v57;
	v18 =	vadd.f32 v18, v58  }
0x133: {  	v60 =	vmax.f32 v59, $0.0e+00;
	v17 =	vmul.f32 $5.000000000e-01, v17;
	v16 =	vmul.f32 v16, v15  }
0x134: {  	vm14 =	vgt.f32 v15, $0.0e+00;
	v15 =	vmin.f32 v37, v60;
	v61 =	vperm.xlane v18, v2  }
0x135: {  	v17 =	vmul.f32 v17, v15;
	v16 =	vnsel vm14, $0x0, v16  }
0x136: {  	vm15 =	vgt.f32 v15, $0.0e+00;
	v14 =	vadd.f32 v16, v14;
	v15 =	vadd.f32 v18, v61  }
0x137: {  	v62 =	vnsel vm15, $0x0, v17  }
0x138: {  	v14 =	vadd.f32 v62, v14;
	v63 =	vperm.xlane v15, v3;
	_ =	sdelay $0x1  }
0x139: {  	v13 =	vsub.f32 v14, v13;
	v14 =	vadd.f32 v15, v63;
	_ =	sdelay $0x1  }
0x13a: {  	v13 =	vmul.f32 v13, v10;
	v14 =	vmul.f32 v14, v10  }
0x13b: {  	s12 =	sadd.s32 $0x1, s12  }
0x13c: {  	p0 =	sne.s32 s12, $0x40;
	v13 =	vsub.f32 v13, v14  }
.Ltmp1:
0x13d: {  	_ = 	snop;
	(pc) =	sbr.rel @p0 .LBB2_2-.Ltmp1, $3  }
0x13e: {  	v13 =	vadd.f32 $1.000000010e-01, v13;
	_ =	sdelay $0x1  }
0x13f: {  	v13 =	vmax.f32 v13, $0.0e+00  }
0x140: {  	v12 =	vadd.f32 v13, v12  }
0x141: {  	_ = 	snop  }
0x142: {  	s11 =	sadd.s32 $0x1, s11;
	v12 =	vmul.f32 $6.250000000e-02, v12  }
0x143: {  	p0 =	sne.s32 s11, s6  }
.Ltmp2:
0x144: {  	[tilespmem:$0x800] =	vst v12;
	(pc) =	sbr.rel @p0 .LBB2_1-.Ltmp2, $4  }
0x145: {  	[hbm4b:s5+s1] =	stream.linear.scatter [tilespmem:s10], [sflag:$0x1], $0x80, $0x38;
	[tilespmem:$0x880] =	vst v63  }
0x146: {  	_ =	swait.ge [sflag:s9], $0x80  }
0x147: {  	[sflag:s9] =	ssyncset.done $0x0  }
0x148: {  	[sflag:s9] =	ssyncadd.s32 $0xFFFFFF80  }
0x149: {  	_ =	sfence.sel $0x180000  }
0x14a: {  	[bflag:$0x0] =	sbarrier.arrive $0xFFFF  }
0x14b: {  	p0 =	sne.s32 s2, $0x0;
	_ =	strace $0x90000047  }
0x14c: {  	s0 =	sadd.s32 @!p0 $0x100000, s0;
	[bflag:$0x2] =	sbarrier.arrive $0xFFFF  }
0x14d: {  	[sflag:s0] =	ssyncadd.tile.s32 @!p0 $0x1;
	_ =	shalt  }
.Lfunc_end2:
_tile_overlayer_lowered:
.L_overlay_start_2:
0x14e: {  	(tag) =	ssettag $0x2  }
0x14f: {  	s0 =	rddreg [dreg:$0x0];
	s2 =	stileid.u32  }
0x150: {  	s1 =	rddreg [dreg:$0x1];
	p0 =	sne.s32 s2, $0x0  }
0x151: {  	s3 =	rddreg [dreg:$0x2];
	[bflag:$0x3] =	sbarrier.arrive $0xFFFF;
	s2 =	simm.s32 @!p0 $0x1C01  }
0x152: {  	[timem:s3], [sflag:s2] =	dma.local @!p0 [hbm:s0], s1  }
0x153: {  	s0 =	simm.s32 @!p0 $0x1  }
0x154: {  	_ =	swait.ge @!p0 [sflag:s0], s1  }
0x155: {  	s1 =	ssub.s32 @!p0 $0x0, s1;
	[sflag:s0] =	ssyncset.done @!p0 $0x0  }
0x156: {  	[sflag:s0] =	ssyncadd.s32 @!p0 s1  }
0x157: {  	[bflag:$0x3] =	sbarrier.arrive $0xFFFF  }
0x158: {  	_ =	shalt  }

</sc_bundles>
